<compile_context>
chip_gen: v7x
topology: tpu7x:2x2x1
jax: 0.10.2.dev20260603
libtpu: 0.0.44.dev20260713+nightly
codegen_flags: <defaults>
</compile_context>

<pallas_src>
import functools

import jax
import jax.numpy as jnp
from jax import lax
from jax.experimental import pallas as pl
from jax.experimental.pallas import tpu as pltpu
from jax.experimental.pallas import tpu_sc as plsc

_N = 50000
_K = 16
_DS = 128
_DID = 128
_FF = 256
_HQ = 64
_EPS = 1e-6


_BLK = 400
_GRID = _N // _BLK


def _gelu(x):
    return 0.5 * x * (1.0 + lax.erf(x * 0.7071067811865476))


def _dense_body(s_ref, cid_ref, rmsw_ref, cW1_ref, cb1_ref, cW2_ref, cb2_ref,
                qW1_ref, qb1_ref, qW2_ref, qb2_ref, kW1_ref, kb1_ref,
                kW2_ref, kb2_ref, m_ref, q_ref, k_ref):
    s = s_ref[...]
    cid = cid_ref[...]
    s_n = s * lax.rsqrt(jnp.mean(s * s, axis=-1, keepdims=True) + _EPS)
    s_n = s_n * rmsw_ref[...]
    x = jnp.concatenate([s_n, cid], axis=-1)
    h = _gelu(jnp.dot(x, cW1_ref[...], preferred_element_type=jnp.float32)
              + cb1_ref[...])
    m_ref[...] = (jnp.dot(h, cW2_ref[...], preferred_element_type=jnp.float32)
                  + cb2_ref[...])
    hq = _gelu(jnp.dot(x, qW1_ref[...], preferred_element_type=jnp.float32)
               + qb1_ref[...])
    q_ref[...] = (jnp.dot(hq, qW2_ref[...], preferred_element_type=jnp.float32)
                  + qb2_ref[...])
    hk = _gelu(jnp.dot(cid, kW1_ref[...], preferred_element_type=jnp.float32)
               + kb1_ref[...])
    k_ref[...] = (jnp.dot(hk, kW2_ref[...], preferred_element_type=jnp.float32)
                  + kb2_ref[...])


def _full(shape):
    nd = len(shape)
    return pl.BlockSpec(shape, lambda i, _nd=nd: (0,) * _nd)


def _dense(s, cid, rms_w, cW1, cb1, cW2, cb2, qW1, qb1, qW2, qb2,
           kW1, kb1, kW2, kb2):
    row_spec = lambda w: pl.BlockSpec((_BLK, w), lambda i: (i, 0))
    return pl.pallas_call(
        _dense_body,
        grid=(_GRID,),
        in_specs=[
            row_spec(_DS), row_spec(_DID),
            _full((1, _DS)),
            _full((_DS + _DID, _FF)), _full((1, _FF)),
            _full((_FF, _DS)), _full((1, _DS)),
            _full((_DS + _DID, 2 * _HQ)), _full((1, 2 * _HQ)),
            _full((2 * _HQ, _HQ)), _full((1, _HQ)),
            _full((_DID, 2 * _HQ)), _full((1, 2 * _HQ)),
            _full((2 * _HQ, _HQ)), _full((1, _HQ)),
        ],
        out_specs=[row_spec(_DS), row_spec(_HQ), row_spec(_HQ)],
        out_shape=[
            jax.ShapeDtypeStruct((_N, _DS), jnp.float32),
            jax.ShapeDtypeStruct((_N, _HQ), jnp.float32),
            jax.ShapeDtypeStruct((_N, _HQ), jnp.float32),
        ],
    )(s, cid, rms_w.reshape(1, _DS), cW1, cb1.reshape(1, _FF),
      cW2, cb2.reshape(1, _DS), qW1, qb1.reshape(1, 2 * _HQ),
      qW2, qb2.reshape(1, _HQ), kW1, kb1.reshape(1, 2 * _HQ),
      kW2, kb2.reshape(1, _HQ))



_NW = 32
_NPAD = 50176
_ROWS_W = _NPAD // _NW
_R = 32
_CHUNKS = _ROWS_W // _R
_IDX_ROWS = _R * _K // 128
_IDX_W = _ROWS_W * _K // 128

_sc_mesh = plsc.VectorSubcoreMesh(core_axis_name="c", subcore_axis_name="s")


@functools.partial(
    pl.kernel,
    mesh=_sc_mesh,
    compiler_params=pltpu.CompilerParams(
        needs_layout_passes=False, use_tc_tiling_on_sc=False),
    out_type=jax.ShapeDtypeStruct((_NPAD, _K), jnp.float32),
    scratch_types=[
        pltpu.VMEM((_IDX_ROWS, 128), jnp.int32),
        pltpu.VMEM((_R * _K, _HQ), jnp.float32),
        pltpu.VMEM((_R, _HQ), jnp.float32),
        pltpu.VMEM((_R, _K), jnp.float32),
        pltpu.VMEM((_R, _K), jnp.float32),
        pltpu.SemaphoreType.DMA,
    ],
)
def _sc_score(q_hbm, k_hbm, idx_hbm, eb_hbm, out_hbm,
              idx_v, kn_v, q_v, eb_v, o_v, sem):
    wid = lax.axis_index("s") * 2 + lax.axis_index("c")
    lane = lax.iota(jnp.int32, 16)

    def chunk_body(ci, carry):
        base = wid * _ROWS_W + ci * _R
        ib = wid * _IDX_W + ci * _IDX_ROWS
        pltpu.sync_copy(idx_hbm.at[pl.ds(ib, _IDX_ROWS)], idx_v)
        copies = []
        for j in range(_IDX_ROWS):
            copies.append(pltpu.async_copy(
                k_hbm.at[idx_v.at[j]], kn_v.at[pl.ds(j * 128, 128)], sem))
        pltpu.sync_copy(q_hbm.at[pl.ds(base, _R)], q_v)
        pltpu.sync_copy(eb_hbm.at[pl.ds(base, _R)], eb_v)
        for cp in copies:
            cp.wait()

        def row_body(r, c2):
            rows = r * _K + lane
            acc = jnp.zeros((16,), jnp.float32)
            for dg in range(_HQ // 16):
                qv = q_v[r, pl.ds(dg * 16, 16)]
                for j in range(16):
                    d = dg * 16 + j
                    col = jnp.full((16,), d, jnp.int32)
                    g = plsc.load_gather(kn_v, [rows, col])
                    acc = acc + g * qv[j]
            score = acc + eb_v[r]
            o_v[r] = 1.0 / (1.0 + jnp.exp(-score))
            return c2

        lax.fori_loop(0, _R, row_body, 0)
        pltpu.sync_copy(o_v, out_hbm.at[pl.ds(base, _R)])
        return carry

    lax.fori_loop(0, _CHUNKS, chunk_body, 0)


def kernel(s, col_id, out_nbrs, E_bias, rms_w, cW1, cb1, cW2, cb2,
           qW1, qb1, qW2, qb2, kW1, kb1, kW2, kb2):
    m_out, q, k = _dense(s, col_id, rms_w, cW1, cb1, cW2, cb2,
                         qW1, qb1, qW2, qb2, kW1, kb1, kW2, kb2)
    pad = _NPAD - _N
    idx = jnp.pad(out_nbrs.astype(jnp.int32), ((0, pad), (0, 0)))
    idx2d = idx.reshape(_NPAD * _K // 128, 128)
    q_pad = jnp.pad(q, ((0, pad), (0, 0)))
    eb_pad = jnp.pad(E_bias, ((0, pad), (0, 0)))
    w_pad = _sc_score(q_pad, k, idx2d, eb_pad)
    return m_out, w_pad[:_N]

# --- scband reference (transcript-rebuilt; emitter-appended) ---
"""Pipeline reference for scband-column-mlps-59794534695163 (READ-ONLY COPY).

The authoritative reference and input builder live on the scoring server;
editing this copy changes nothing except your own understanding.
"""

import jax, jax.numpy as jnp
import numpy as np

N = 50000
K = 16
D_S = 128
D_ID = 128
H = 4
DQ = 16
FF = 2 * D_S          # ffn_mult_content * D_s
HQ = H * DQ           # 64
EPS = 1e-6


def setup_inputs(seed: int = 0) -> dict:
    key = jax.random.key(seed)
    ks = jax.random.split(key, 20)
    inp = {}
    inp["s"] = jax.random.normal(ks[0], (N, D_S), dtype=jnp.float32)
    inp["col_id"] = jax.random.normal(ks[1], (N, D_ID), dtype=jnp.float32)
    inp["out_nbrs"] = jax.random.randint(ks[2], (N, K), 0, N, dtype=jnp.int64)
    inp["E_bias"] = jax.random.normal(ks[3], (N, K), dtype=jnp.float32)
    # learned parameters (Linear stored as [in, out])
    inp["rms_w"] = jnp.ones((D_S,), dtype=jnp.float32)
    inp["cW1"] = 0.014 * jax.random.normal(ks[4], (D_S + D_ID, FF), dtype=jnp.float32)
    inp["cb1"] = jnp.zeros((FF,), dtype=jnp.float32)
    inp["cW2"] = 0.02 * jax.random.normal(ks[5], (FF, D_S), dtype=jnp.float32)
    inp["cb2"] = jnp.zeros((D_S,), dtype=jnp.float32)
    inp["qW1"] = 0.014 * jax.random.normal(ks[6], (D_S + D_ID, 2 * HQ), dtype=jnp.float32)
    inp["qb1"] = jnp.zeros((2 * HQ,), dtype=jnp.float32)
    inp["qW2"] = 0.02 * jax.random.normal(ks[7], (2 * HQ, HQ), dtype=jnp.float32)
    inp["qb2"] = jnp.zeros((HQ,), dtype=jnp.float32)
    inp["kW1"] = 0.014 * jax.random.normal(ks[8], (D_ID, 2 * HQ), dtype=jnp.float32)
    inp["kb1"] = jnp.zeros((2 * HQ,), dtype=jnp.float32)
    inp["kW2"] = 0.02 * jax.random.normal(ks[9], (2 * HQ, HQ), dtype=jnp.float32)
    inp["kb2"] = jnp.zeros((HQ,), dtype=jnp.float32)
    return inp


def reference(s, col_id, out_nbrs, E_bias, rms_w, cW1, cb1, cW2, cb2,
              qW1, qb1, qW2, qb2, kW1, kb1, kW2, kb2):
    # RMSNorm on state
    s_n = s * jax.lax.rsqrt(jnp.mean(s * s, axis=-1, keepdims=True) + EPS) * rms_w
    x = jnp.concatenate([s_n, col_id], axis=-1)            # [N, D_s + D_id]
    # content_mlp(s, id) -> m_out (fires every token)
    m_out = jax.nn.gelu(x @ cW1 + cb1, approximate=False) @ cW2 + cb2   # [N, D_s]
    # q_proj(s, id): state-dependent multi-head queries
    q = (jax.nn.gelu(x @ qW1 + qb1, approximate=False) @ qW2 + qb2).reshape(N, H, DQ)
    # k_proj(id): static keys (cacheable within a segment)
    k = (jax.nn.gelu(col_id @ kW1 + kb1, approximate=False) @ kW2 + kb2).reshape(N, H, DQ)
    # per-edge gather of neighbor keys + multi-head bilinear score
    k_nbr = jnp.take(k, out_nbrs, axis=0)                  # [N, K, H, D_q] gather
    score = jnp.einsum('nhd,nkhd->nk', q, k_nbr) + E_bias  # [N, K]
    w_out = jax.nn.sigmoid(score)
    return (m_out, w_out)

if __name__ == "__main__":
    import jax
    _d = setup_inputs()
    print(jax.jit(kernel)(*tuple(_d.values())))

</pallas_src>

<mosaic_0001>
#map = affine_map<(d0, d1) -> (0, 0)>
module attributes {stable_mosaic.version = 14 : i64} {
  func.func @_sc_score(%arg0: i32, %arg1: i32, %arg2: memref<50176x64xf32, #tpu.memory_space<hbm>>, %arg3: memref<50000x64xf32, #tpu.memory_space<hbm>>, %arg4: memref<6272x128xi32, #tpu.memory_space<hbm>>, %arg5: memref<50176x16xf32, #tpu.memory_space<hbm>>, %arg6: memref<50176x16xf32, #tpu.memory_space<hbm>>, %arg7: memref<4x128xi32, #tpu.memory_space<vmem>>, %arg8: memref<512x64xf32, #tpu.memory_space<vmem>>, %arg9: memref<32x64xf32, #tpu.memory_space<vmem>>, %arg10: memref<32x16xf32, #tpu.memory_space<vmem>>, %arg11: memref<32x16xf32, #tpu.memory_space<vmem>>, %arg12: memref<!tpu.dma_semaphore, #tpu.memory_space<semaphore_mem>>) attributes {dimension_semantics = [#tpu.dimension_semantics<core_parallel>, #tpu.dimension_semantics<subcore_parallel>], iteration_bounds = array<i64: 2, 16>, scalar_prefetch = 0 : i64, scratch_operands = 6 : i64, tpu.core_type = #tpu.core_type<sc_vector_subcore>, window_params = [{transform_indices = #map}, {transform_indices = #map}, {transform_indices = #map}, {transform_indices = #map}, {transform_indices = #map}]} {
    %mul3A = arith.constant 2 : i32
    %mul3A_0 = arith.muli %arg1, %mul3A : i32
    %add3A = arith.addi %mul3A_0, %arg0 : i32
    %iota3A = tpu.iota {dimensions = array<i32: 0>} : vector<16xi32>
    %scan3A = arith.constant 0 : i32
    %scan3A_1 = arith.constant 0 : i32
    %scan3A_2 = arith.constant 49 : i32
    %scan3A_3 = arith.addi %scan3A_1, %scan3A_2 : i32
    %scan3A_4 = arith.constant 1 : i32
    scf.for %scan3A_6 = %scan3A_1 to %scan3A_3 step %scan3A_4  : i32 {
      %mul3A_7 = arith.constant 1568 : i32
      %mul3A_8 = arith.muli %add3A, %mul3A_7 : i32
      %mul3A_9 = arith.constant 32 : i32
      %mul3A_10 = arith.muli %scan3A_6, %mul3A_9 : i32
      %add3A_11 = arith.addi %mul3A_8, %mul3A_10 : i32
      %mul3A_12 = arith.constant 196 : i32
      %mul3A_13 = arith.muli %add3A, %mul3A_12 : i32
      %mul3A_14 = arith.constant 4 : i32
      %mul3A_15 = arith.muli %scan3A_6, %mul3A_14 : i32
      %add3A_16 = arith.addi %mul3A_13, %mul3A_15 : i32
      "tpu.region"() ({
        %run_scoped3A = tpu.sem_alloc : memref<!tpu.dma_semaphore, #tpu.memory_space<semaphore_mem>>
        %dma_start3A_101 = arith.constant 0 : i32
        %dma_start3A_102 = tpu.memref_slice %arg4[%add3A_16, %dma_start3A_101] : memref<6272x128xi32, #tpu.memory_space<hbm>> -> memref<4x128xi32, #tpu.memory_space<hbm>>
        %dma_start3A_103 = arith.constant 0 : i32
        %dma_start3A_104 = tpu.memref_slice %arg4[%add3A_16, %dma_start3A_103] : memref<6272x128xi32, #tpu.memory_space<hbm>> -> memref<4x128xi32, #tpu.memory_space<hbm>>
        tpu.enqueue_dma source(%dma_start3A_104 : memref<4x128xi32, #tpu.memory_space<hbm>>) target(%arg7 : memref<4x128xi32, #tpu.memory_space<vmem>>) target_semaphore(%run_scoped3A : memref<!tpu.dma_semaphore, #tpu.memory_space<semaphore_mem>>)
        %dma_wait3A_105 = arith.constant 0 : i32
        %dma_wait3A_106 = tpu.memref_slice %arg4[%add3A_16, %dma_wait3A_105] : memref<6272x128xi32, #tpu.memory_space<hbm>> -> memref<4x128xi32, #tpu.memory_space<hbm>>
        %dma_wait3A_107 = arith.constant 0 : i32
        %dma_wait3A_108 = tpu.memref_slice %arg4[%add3A_16, %dma_wait3A_107] : memref<6272x128xi32, #tpu.memory_space<hbm>> -> memref<4x128xi32, #tpu.memory_space<hbm>>
        tpu.wait_dma2 semaphore(%run_scoped3A : memref<!tpu.dma_semaphore, #tpu.memory_space<semaphore_mem>>) src(%dma_wait3A_108 : memref<4x128xi32, #tpu.memory_space<hbm>>) dst(%arg7 : memref<4x128xi32, #tpu.memory_space<vmem>>)
        tpu.yield
      }) : () -> ()
      %dma_start3A = arith.constant 0 : i32
      %dma_start3A_17 = arith.constant 0 : i32
      %dma_start3A_18 = arith.constant 0 : i32
      %dma_start3A_19 = tpu.memref_slice %arg8[%dma_start3A_17, %dma_start3A_18] : memref<512x64xf32, #tpu.memory_space<vmem>> -> memref<128x64xf32, #tpu.memory_space<vmem>>
      %dma_start3A_20 = arith.constant 0 : i32
      %dma_start3A_21 = tpu.memref_slice %arg7[%dma_start3A, %dma_start3A_20] : memref<4x128xi32, #tpu.memory_space<vmem>> -> memref<1x128xi32, #tpu.memory_space<vmem>>
      %dma_start3A_22 = tpu.memref_squeeze %dma_start3A_21 : memref<1x128xi32, #tpu.memory_space<vmem>> -> memref<128xi32, #tpu.memory_space<vmem>>
      %dma_start3A_23 = arith.constant 0 : i32
      %dma_start3A_24 = arith.constant 0 : i32
      %dma_start3A_25 = tpu.memref_slice %arg3[%dma_start3A_23, %dma_start3A_24] : memref<50000x64xf32, #tpu.memory_space<hbm>> -> memref<50000x64xf32, #tpu.memory_space<hbm>>
      tpu.enqueue_indirect_dma source(%dma_start3A_25 : memref<50000x64xf32, #tpu.memory_space<hbm>>) target(%dma_start3A_19 : memref<128x64xf32, #tpu.memory_space<vmem>>) offsets(%dma_start3A_22 : memref<128xi32, #tpu.memory_space<vmem>>) semaphore(%arg12 : memref<!tpu.dma_semaphore, #tpu.memory_space<semaphore_mem>>)
      %dma_start3A_26 = arith.constant 1 : i32
      %dma_start3A_27 = arith.constant 128 : i32
      %dma_start3A_28 = arith.constant 0 : i32
      %dma_start3A_29 = tpu.memref_slice %arg8[%dma_start3A_27, %dma_start3A_28] : memref<512x64xf32, #tpu.memory_space<vmem>> -> memref<128x64xf32, #tpu.memory_space<vmem>>
      %dma_start3A_30 = arith.constant 0 : i32
      %dma_start3A_31 = tpu.memref_slice %arg7[%dma_start3A_26, %dma_start3A_30] : memref<4x128xi32, #tpu.memory_space<vmem>> -> memref<1x128xi32, #tpu.memory_space<vmem>>
      %dma_start3A_32 = tpu.memref_squeeze %dma_start3A_31 : memref<1x128xi32, #tpu.memory_space<vmem>> -> memref<128xi32, #tpu.memory_space<vmem>>
      %dma_start3A_33 = arith.constant 0 : i32
      %dma_start3A_34 = arith.constant 0 : i32
      %dma_start3A_35 = tpu.memref_slice %arg3[%dma_start3A_33, %dma_start3A_34] : memref<50000x64xf32, #tpu.memory_space<hbm>> -> memref<50000x64xf32, #tpu.memory_space<hbm>>
      tpu.enqueue_indirect_dma source(%dma_start3A_35 : memref<50000x64xf32, #tpu.memory_space<hbm>>) target(%dma_start3A_29 : memref<128x64xf32, #tpu.memory_space<vmem>>) offsets(%dma_start3A_32 : memref<128xi32, #tpu.memory_space<vmem>>) semaphore(%arg12 : memref<!tpu.dma_semaphore, #tpu.memory_space<semaphore_mem>>)
      %dma_start3A_36 = arith.constant 2 : i32
      %dma_start3A_37 = arith.constant 256 : i32
      %dma_start3A_38 = arith.constant 0 : i32
      %dma_start3A_39 = tpu.memref_slice %arg8[%dma_start3A_37, %dma_start3A_38] : memref<512x64xf32, #tpu.memory_space<vmem>> -> memref<128x64xf32, #tpu.memory_space<vmem>>
      %dma_start3A_40 = arith.constant 0 : i32
      %dma_start3A_41 = tpu.memref_slice %arg7[%dma_start3A_36, %dma_start3A_40] : memref<4x128xi32, #tpu.memory_space<vmem>> -> memref<1x128xi32, #tpu.memory_space<vmem>>
      %dma_start3A_42 = tpu.memref_squeeze %dma_start3A_41 : memref<1x128xi32, #tpu.memory_space<vmem>> -> memref<128xi32, #tpu.memory_space<vmem>>
      %dma_start3A_43 = arith.constant 0 : i32
      %dma_start3A_44 = arith.constant 0 : i32
      %dma_start3A_45 = tpu.memref_slice %arg3[%dma_start3A_43, %dma_start3A_44] : memref<50000x64xf32, #tpu.memory_space<hbm>> -> memref<50000x64xf32, #tpu.memory_space<hbm>>
      tpu.enqueue_indirect_dma source(%dma_start3A_45 : memref<50000x64xf32, #tpu.memory_space<hbm>>) target(%dma_start3A_39 : memref<128x64xf32, #tpu.memory_space<vmem>>) offsets(%dma_start3A_42 : memref<128xi32, #tpu.memory_space<vmem>>) semaphore(%arg12 : memref<!tpu.dma_semaphore, #tpu.memory_space<semaphore_mem>>)
      %dma_start3A_46 = arith.constant 3 : i32
      %dma_start3A_47 = arith.constant 384 : i32
      %dma_start3A_48 = arith.constant 0 : i32
      %dma_start3A_49 = tpu.memref_slice %arg8[%dma_start3A_47, %dma_start3A_48] : memref<512x64xf32, #tpu.memory_space<vmem>> -> memref<128x64xf32, #tpu.memory_space<vmem>>
      %dma_start3A_50 = arith.constant 0 : i32
      %dma_start3A_51 = tpu.memref_slice %arg7[%dma_start3A_46, %dma_start3A_50] : memref<4x128xi32, #tpu.memory_space<vmem>> -> memref<1x128xi32, #tpu.memory_space<vmem>>
      %dma_start3A_52 = tpu.memref_squeeze %dma_start3A_51 : memref<1x128xi32, #tpu.memory_space<vmem>> -> memref<128xi32, #tpu.memory_space<vmem>>
      %dma_start3A_53 = arith.constant 0 : i32
      %dma_start3A_54 = arith.constant 0 : i32
      %dma_start3A_55 = tpu.memref_slice %arg3[%dma_start3A_53, %dma_start3A_54] : memref<50000x64xf32, #tpu.memory_space<hbm>> -> memref<50000x64xf32, #tpu.memory_space<hbm>>
      tpu.enqueue_indirect_dma source(%dma_start3A_55 : memref<50000x64xf32, #tpu.memory_space<hbm>>) target(%dma_start3A_49 : memref<128x64xf32, #tpu.memory_space<vmem>>) offsets(%dma_start3A_52 : memref<128xi32, #tpu.memory_space<vmem>>) semaphore(%arg12 : memref<!tpu.dma_semaphore, #tpu.memory_space<semaphore_mem>>)
      "tpu.region"() ({
        %run_scoped3A = tpu.sem_alloc : memref<!tpu.dma_semaphore, #tpu.memory_space<semaphore_mem>>
        %dma_start3A_101 = arith.constant 0 : i32
        %dma_start3A_102 = tpu.memref_slice %arg2[%add3A_11, %dma_start3A_101] : memref<50176x64xf32, #tpu.memory_space<hbm>> -> memref<32x64xf32, #tpu.memory_space<hbm>>
        %dma_start3A_103 = arith.constant 0 : i32
        %dma_start3A_104 = tpu.memref_slice %arg2[%add3A_11, %dma_start3A_103] : memref<50176x64xf32, #tpu.memory_space<hbm>> -> memref<32x64xf32, #tpu.memory_space<hbm>>
        tpu.enqueue_dma source(%dma_start3A_104 : memref<32x64xf32, #tpu.memory_space<hbm>>) target(%arg9 : memref<32x64xf32, #tpu.memory_space<vmem>>) target_semaphore(%run_scoped3A : memref<!tpu.dma_semaphore, #tpu.memory_space<semaphore_mem>>)
        %dma_wait3A_105 = arith.constant 0 : i32
        %dma_wait3A_106 = tpu.memref_slice %arg2[%add3A_11, %dma_wait3A_105] : memref<50176x64xf32, #tpu.memory_space<hbm>> -> memref<32x64xf32, #tpu.memory_space<hbm>>
        %dma_wait3A_107 = arith.constant 0 : i32
        %dma_wait3A_108 = tpu.memref_slice %arg2[%add3A_11, %dma_wait3A_107] : memref<50176x64xf32, #tpu.memory_space<hbm>> -> memref<32x64xf32, #tpu.memory_space<hbm>>
        tpu.wait_dma2 semaphore(%run_scoped3A : memref<!tpu.dma_semaphore, #tpu.memory_space<semaphore_mem>>) src(%dma_wait3A_108 : memref<32x64xf32, #tpu.memory_space<hbm>>) dst(%arg9 : memref<32x64xf32, #tpu.memory_space<vmem>>)
        tpu.yield
      }) : () -> ()
      "tpu.region"() ({
        %run_scoped3A = tpu.sem_alloc : memref<!tpu.dma_semaphore, #tpu.memory_space<semaphore_mem>>
        %dma_start3A_101 = arith.constant 0 : i32
        %dma_start3A_102 = tpu.memref_slice %arg5[%add3A_11, %dma_start3A_101] : memref<50176x16xf32, #tpu.memory_space<hbm>> -> memref<32x16xf32, #tpu.memory_space<hbm>>
        %dma_start3A_103 = arith.constant 0 : i32
        %dma_start3A_104 = tpu.memref_slice %arg5[%add3A_11, %dma_start3A_103] : memref<50176x16xf32, #tpu.memory_space<hbm>> -> memref<32x16xf32, #tpu.memory_space<hbm>>
        tpu.enqueue_dma source(%dma_start3A_104 : memref<32x16xf32, #tpu.memory_space<hbm>>) target(%arg10 : memref<32x16xf32, #tpu.memory_space<vmem>>) target_semaphore(%run_scoped3A : memref<!tpu.dma_semaphore, #tpu.memory_space<semaphore_mem>>)
        %dma_wait3A_105 = arith.constant 0 : i32
        %dma_wait3A_106 = tpu.memref_slice %arg5[%add3A_11, %dma_wait3A_105] : memref<50176x16xf32, #tpu.memory_space<hbm>> -> memref<32x16xf32, #tpu.memory_space<hbm>>
        %dma_wait3A_107 = arith.constant 0 : i32
        %dma_wait3A_108 = tpu.memref_slice %arg5[%add3A_11, %dma_wait3A_107] : memref<50176x16xf32, #tpu.memory_space<hbm>> -> memref<32x16xf32, #tpu.memory_space<hbm>>
        tpu.wait_dma2 semaphore(%run_scoped3A : memref<!tpu.dma_semaphore, #tpu.memory_space<semaphore_mem>>) src(%dma_wait3A_108 : memref<32x16xf32, #tpu.memory_space<hbm>>) dst(%arg10 : memref<32x16xf32, #tpu.memory_space<vmem>>)
        tpu.yield
      }) : () -> ()
      %dma_wait3A = arith.constant 0 : i32
      %dma_wait3A_56 = arith.constant 0 : i32
      %dma_wait3A_57 = arith.constant 0 : i32
      %dma_wait3A_58 = tpu.memref_slice %arg8[%dma_wait3A_56, %dma_wait3A_57] : memref<512x64xf32, #tpu.memory_space<vmem>> -> memref<128x64xf32, #tpu.memory_space<vmem>>
      %dma_wait3A_59 = arith.constant 0 : i32
      %dma_wait3A_60 = tpu.memref_slice %arg7[%dma_wait3A, %dma_wait3A_59] : memref<4x128xi32, #tpu.memory_space<vmem>> -> memref<1x128xi32, #tpu.memory_space<vmem>>
      %dma_wait3A_61 = tpu.memref_squeeze %dma_wait3A_60 : memref<1x128xi32, #tpu.memory_space<vmem>> -> memref<128xi32, #tpu.memory_space<vmem>>
      %dma_wait3A_62 = arith.constant 0 : i32
      %dma_wait3A_63 = arith.constant 0 : i32
      %dma_wait3A_64 = tpu.memref_slice %arg3[%dma_wait3A_62, %dma_wait3A_63] : memref<50000x64xf32, #tpu.memory_space<hbm>> -> memref<50000x64xf32, #tpu.memory_space<hbm>>
      tpu.wait_indirect_dma semaphore(%arg12 : memref<!tpu.dma_semaphore, #tpu.memory_space<semaphore_mem>>) src(%dma_wait3A_64 : memref<50000x64xf32, #tpu.memory_space<hbm>>) dst(%dma_wait3A_58 : memref<128x64xf32, #tpu.memory_space<vmem>>)
      %dma_wait3A_65 = arith.constant 1 : i32
      %dma_wait3A_66 = arith.constant 128 : i32
      %dma_wait3A_67 = arith.constant 0 : i32
      %dma_wait3A_68 = tpu.memref_slice %arg8[%dma_wait3A_66, %dma_wait3A_67] : memref<512x64xf32, #tpu.memory_space<vmem>> -> memref<128x64xf32, #tpu.memory_space<vmem>>
      %dma_wait3A_69 = arith.constant 0 : i32
      %dma_wait3A_70 = tpu.memref_slice %arg7[%dma_wait3A_65, %dma_wait3A_69] : memref<4x128xi32, #tpu.memory_space<vmem>> -> memref<1x128xi32, #tpu.memory_space<vmem>>
      %dma_wait3A_71 = tpu.memref_squeeze %dma_wait3A_70 : memref<1x128xi32, #tpu.memory_space<vmem>> -> memref<128xi32, #tpu.memory_space<vmem>>
      %dma_wait3A_72 = arith.constant 0 : i32
      %dma_wait3A_73 = arith.constant 0 : i32
      %dma_wait3A_74 = tpu.memref_slice %arg3[%dma_wait3A_72, %dma_wait3A_73] : memref<50000x64xf32, #tpu.memory_space<hbm>> -> memref<50000x64xf32, #tpu.memory_space<hbm>>
      tpu.wait_indirect_dma semaphore(%arg12 : memref<!tpu.dma_semaphore, #tpu.memory_space<semaphore_mem>>) src(%dma_wait3A_74 : memref<50000x64xf32, #tpu.memory_space<hbm>>) dst(%dma_wait3A_68 : memref<128x64xf32, #tpu.memory_space<vmem>>)
      %dma_wait3A_75 = arith.constant 2 : i32
      %dma_wait3A_76 = arith.constant 256 : i32
      %dma_wait3A_77 = arith.constant 0 : i32
      %dma_wait3A_78 = tpu.memref_slice %arg8[%dma_wait3A_76, %dma_wait3A_77] : memref<512x64xf32, #tpu.memory_space<vmem>> -> memref<128x64xf32, #tpu.memory_space<vmem>>
      %dma_wait3A_79 = arith.constant 0 : i32
      %dma_wait3A_80 = tpu.memref_slice %arg7[%dma_wait3A_75, %dma_wait3A_79] : memref<4x128xi32, #tpu.memory_space<vmem>> -> memref<1x128xi32, #tpu.memory_space<vmem>>
      %dma_wait3A_81 = tpu.memref_squeeze %dma_wait3A_80 : memref<1x128xi32, #tpu.memory_space<vmem>> -> memref<128xi32, #tpu.memory_space<vmem>>
      %dma_wait3A_82 = arith.constant 0 : i32
      %dma_wait3A_83 = arith.constant 0 : i32
      %dma_wait3A_84 = tpu.memref_slice %arg3[%dma_wait3A_82, %dma_wait3A_83] : memref<50000x64xf32, #tpu.memory_space<hbm>> -> memref<50000x64xf32, #tpu.memory_space<hbm>>
      tpu.wait_indirect_dma semaphore(%arg12 : memref<!tpu.dma_semaphore, #tpu.memory_space<semaphore_mem>>) src(%dma_wait3A_84 : memref<50000x64xf32, #tpu.memory_space<hbm>>) dst(%dma_wait3A_78 : memref<128x64xf32, #tpu.memory_space<vmem>>)
      %dma_wait3A_85 = arith.constant 3 : i32
      %dma_wait3A_86 = arith.constant 384 : i32
      %dma_wait3A_87 = arith.constant 0 : i32
      %dma_wait3A_88 = tpu.memref_slice %arg8[%dma_wait3A_86, %dma_wait3A_87] : memref<512x64xf32, #tpu.memory_space<vmem>> -> memref<128x64xf32, #tpu.memory_space<vmem>>
      %dma_wait3A_89 = arith.constant 0 : i32
      %dma_wait3A_90 = tpu.memref_slice %arg7[%dma_wait3A_85, %dma_wait3A_89] : memref<4x128xi32, #tpu.memory_space<vmem>> -> memref<1x128xi32, #tpu.memory_space<vmem>>
      %dma_wait3A_91 = tpu.memref_squeeze %dma_wait3A_90 : memref<1x128xi32, #tpu.memory_space<vmem>> -> memref<128xi32, #tpu.memory_space<vmem>>
      %dma_wait3A_92 = arith.constant 0 : i32
      %dma_wait3A_93 = arith.constant 0 : i32
      %dma_wait3A_94 = tpu.memref_slice %arg3[%dma_wait3A_92, %dma_wait3A_93] : memref<50000x64xf32, #tpu.memory_space<hbm>> -> memref<50000x64xf32, #tpu.memory_space<hbm>>
      tpu.wait_indirect_dma semaphore(%arg12 : memref<!tpu.dma_semaphore, #tpu.memory_space<semaphore_mem>>) src(%dma_wait3A_94 : memref<50000x64xf32, #tpu.memory_space<hbm>>) dst(%dma_wait3A_88 : memref<128x64xf32, #tpu.memory_space<vmem>>)
      %scan3A_95 = arith.constant 0 : i32
      %scan3A_96 = arith.constant 0 : i32
      %scan3A_97 = arith.constant 32 : i32
      %scan3A_98 = arith.addi %scan3A_96, %scan3A_97 : i32
      %scan3A_99 = arith.constant 1 : i32
      scf.for %scan3A_101 = %scan3A_96 to %scan3A_98 step %scan3A_99  : i32 {
        %mul3A_102 = arith.constant 16 : i32
        %mul3A_103 = arith.muli %scan3A_101, %mul3A_102 : i32
        %add3A_104 = vector.broadcast %mul3A_103 : i32 to vector<16xi32>
        %add3A_105 = arith.addi %add3A_104, %iota3A : vector<16xi32>
        %broadcast_in_dim3A = arith.constant 0.000000e+00 : f32
        %broadcast_in_dim3A_106 = vector.broadcast %broadcast_in_dim3A : f32 to vector<16xf32>
        %get3A = arith.index_cast %scan3A_101 : i32 to index
        %get3A_107 = arith.constant 0 : index
        %get3A_108 = tpu.vector_load %arg9[%get3A, %get3A_107] {strides = array<i32>} : memref<32x64xf32, #tpu.memory_space<vmem>>, vector<16xf32>,
        %broadcast_in_dim3A_109 = arith.constant 0 : i32
        %broadcast_in_dim3A_110 = vector.broadcast %broadcast_in_dim3A_109 : i32 to vector<16xi32>
        %gather3A = tpu.vector_load_idx %arg8[%add3A_105, %broadcast_in_dim3A_110] : memref<512x64xf32, #tpu.memory_space<vmem>>[vector<16xi32>, vector<16xi32>], vector<16xf32>,
        %slice3A = vector.extract_strided_slice %get3A_108 {offsets = [0], sizes = [1], strides = [1]} : vector<16xf32> to vector<1xf32>
        %squeeze3A = vector.extract %slice3A[0] : f32 from vector<1xf32>
        %mul3A_111 = vector.broadcast %squeeze3A : f32 to vector<16xf32>
        %mul3A_112 = arith.mulf %gather3A, %mul3A_111 : vector<16xf32>
        %add3A_113 = arith.addf %broadcast_in_dim3A_106, %mul3A_112 : vector<16xf32>
        %broadcast_in_dim3A_114 = arith.constant 1 : i32
        %broadcast_in_dim3A_115 = vector.broadcast %broadcast_in_dim3A_114 : i32 to vector<16xi32>
        %gather3A_116 = tpu.vector_load_idx %arg8[%add3A_105, %broadcast_in_dim3A_115] : memref<512x64xf32, #tpu.memory_space<vmem>>[vector<16xi32>, vector<16xi32>], vector<16xf32>,
        %slice3A_117 = vector.extract_strided_slice %get3A_108 {offsets = [1], sizes = [1], strides = [1]} : vector<16xf32> to vector<1xf32>
        %squeeze3A_118 = vector.extract %slice3A_117[0] : f32 from vector<1xf32>
        %mul3A_119 = vector.broadcast %squeeze3A_118 : f32 to vector<16xf32>
        %mul3A_120 = arith.mulf %gather3A_116, %mul3A_119 : vector<16xf32>
        %add3A_121 = arith.addf %add3A_113, %mul3A_120 : vector<16xf32>
        %broadcast_in_dim3A_122 = arith.constant 2 : i32
        %broadcast_in_dim3A_123 = vector.broadcast %broadcast_in_dim3A_122 : i32 to vector<16xi32>
        %gather3A_124 = tpu.vector_load_idx %arg8[%add3A_105, %broadcast_in_dim3A_123] : memref<512x64xf32, #tpu.memory_space<vmem>>[vector<16xi32>, vector<16xi32>], vector<16xf32>,
        %slice3A_125 = vector.extract_strided_slice %get3A_108 {offsets = [2], sizes = [1], strides = [1]} : vector<16xf32> to vector<1xf32>
        %squeeze3A_126 = vector.extract %slice3A_125[0] : f32 from vector<1xf32>
        %mul3A_127 = vector.broadcast %squeeze3A_126 : f32 to vector<16xf32>
        %mul3A_128 = arith.mulf %gather3A_124, %mul3A_127 : vector<16xf32>
        %add3A_129 = arith.addf %add3A_121, %mul3A_128 : vector<16xf32>
        %broadcast_in_dim3A_130 = arith.constant 3 : i32
        %broadcast_in_dim3A_131 = vector.broadcast %broadcast_in_dim3A_130 : i32 to vector<16xi32>
        %gather3A_132 = tpu.vector_load_idx %arg8[%add3A_105, %broadcast_in_dim3A_131] : memref<512x64xf32, #tpu.memory_space<vmem>>[vector<16xi32>, vector<16xi32>], vector<16xf32>,
        %slice3A_133 = vector.extract_strided_slice %get3A_108 {offsets = [3], sizes = [1], strides = [1]} : vector<16xf32> to vector<1xf32>
        %squeeze3A_134 = vector.extract %slice3A_133[0] : f32 from vector<1xf32>
        %mul3A_135 = vector.broadcast %squeeze3A_134 : f32 to vector<16xf32>
        %mul3A_136 = arith.mulf %gather3A_132, %mul3A_135 : vector<16xf32>
        %add3A_137 = arith.addf %add3A_129, %mul3A_136 : vector<16xf32>
        %broadcast_in_dim3A_138 = arith.constant 4 : i32
        %broadcast_in_dim3A_139 = vector.broadcast %broadcast_in_dim3A_138 : i32 to vector<16xi32>
        %gather3A_140 = tpu.vector_load_idx %arg8[%add3A_105, %broadcast_in_dim3A_139] : memref<512x64xf32, #tpu.memory_space<vmem>>[vector<16xi32>, vector<16xi32>], vector<16xf32>,
        %slice3A_141 = vector.extract_strided_slice %get3A_108 {offsets = [4], sizes = [1], strides = [1]} : vector<16xf32> to vector<1xf32>
        %squeeze3A_142 = vector.extract %slice3A_141[0] : f32 from vector<1xf32>
        %mul3A_143 = vector.broadcast %squeeze3A_142 : f32 to vector<16xf32>
        %mul3A_144 = arith.mulf %gather3A_140, %mul3A_143 : vector<16xf32>
        %add3A_145 = arith.addf %add3A_137, %mul3A_144 : vector<16xf32>
        %broadcast_in_dim3A_146 = arith.constant 5 : i32
        %broadcast_in_dim3A_147 = vector.broadcast %broadcast_in_dim3A_146 : i32 to vector<16xi32>
        %gather3A_148 = tpu.vector_load_idx %arg8[%add3A_105, %broadcast_in_dim3A_147] : memref<512x64xf32, #tpu.memory_space<vmem>>[vector<16xi32>, vector<16xi32>], vector<16xf32>,
        %slice3A_149 = vector.extract_strided_slice %get3A_108 {offsets = [5], sizes = [1], strides = [1]} : vector<16xf32> to vector<1xf32>
        %squeeze3A_150 = vector.extract %slice3A_149[0] : f32 from vector<1xf32>
        %mul3A_151 = vector.broadcast %squeeze3A_150 : f32 to vector<16xf32>
        %mul3A_152 = arith.mulf %gather3A_148, %mul3A_151 : vector<16xf32>
        %add3A_153 = arith.addf %add3A_145, %mul3A_152 : vector<16xf32>
        %broadcast_in_dim3A_154 = arith.constant 6 : i32
        %broadcast_in_dim3A_155 = vector.broadcast %broadcast_in_dim3A_154 : i32 to vector<16xi32>
        %gather3A_156 = tpu.vector_load_idx %arg8[%add3A_105, %broadcast_in_dim3A_155] : memref<512x64xf32, #tpu.memory_space<vmem>>[vector<16xi32>, vector<16xi32>], vector<16xf32>,
        %slice3A_157 = vector.extract_strided_slice %get3A_108 {offsets = [6], sizes = [1], strides = [1]} : vector<16xf32> to vector<1xf32>
        %squeeze3A_158 = vector.extract %slice3A_157[0] : f32 from vector<1xf32>
        %mul3A_159 = vector.broadcast %squeeze3A_158 : f32 to vector<16xf32>
        %mul3A_160 = arith.mulf %gather3A_156, %mul3A_159 : vector<16xf32>
        %add3A_161 = arith.addf %add3A_153, %mul3A_160 : vector<16xf32>
        %broadcast_in_dim3A_162 = arith.constant 7 : i32
        %broadcast_in_dim3A_163 = vector.broadcast %broadcast_in_dim3A_162 : i32 to vector<16xi32>
        %gather3A_164 = tpu.vector_load_idx %arg8[%add3A_105, %broadcast_in_dim3A_163] : memref<512x64xf32, #tpu.memory_space<vmem>>[vector<16xi32>, vector<16xi32>], vector<16xf32>,
        %slice3A_165 = vector.extract_strided_slice %get3A_108 {offsets = [7], sizes = [1], strides = [1]} : vector<16xf32> to vector<1xf32>
        %squeeze3A_166 = vector.extract %slice3A_165[0] : f32 from vector<1xf32>
        %mul3A_167 = vector.broadcast %squeeze3A_166 : f32 to vector<16xf32>
        %mul3A_168 = arith.mulf %gather3A_164, %mul3A_167 : vector<16xf32>
        %add3A_169 = arith.addf %add3A_161, %mul3A_168 : vector<16xf32>
        %broadcast_in_dim3A_170 = arith.constant 8 : i32
        %broadcast_in_dim3A_171 = vector.broadcast %broadcast_in_dim3A_170 : i32 to vector<16xi32>
        %gather3A_172 = tpu.vector_load_idx %arg8[%add3A_105, %broadcast_in_dim3A_171] : memref<512x64xf32, #tpu.memory_space<vmem>>[vector<16xi32>, vector<16xi32>], vector<16xf32>,
        %slice3A_173 = vector.extract_strided_slice %get3A_108 {offsets = [8], sizes = [1], strides = [1]} : vector<16xf32> to vector<1xf32>
        %squeeze3A_174 = vector.extract %slice3A_173[0] : f32 from vector<1xf32>
        %mul3A_175 = vector.broadcast %squeeze3A_174 : f32 to vector<16xf32>
        %mul3A_176 = arith.mulf %gather3A_172, %mul3A_175 : vector<16xf32>
        %add3A_177 = arith.addf %add3A_169, %mul3A_176 : vector<16xf32>
        %broadcast_in_dim3A_178 = arith.constant 9 : i32
        %broadcast_in_dim3A_179 = vector.broadcast %broadcast_in_dim3A_178 : i32 to vector<16xi32>
        %gather3A_180 = tpu.vector_load_idx %arg8[%add3A_105, %broadcast_in_dim3A_179] : memref<512x64xf32, #tpu.memory_space<vmem>>[vector<16xi32>, vector<16xi32>], vector<16xf32>,
        %slice3A_181 = vector.extract_strided_slice %get3A_108 {offsets = [9], sizes = [1], strides = [1]} : vector<16xf32> to vector<1xf32>
        %squeeze3A_182 = vector.extract %slice3A_181[0] : f32 from vector<1xf32>
        %mul3A_183 = vector.broadcast %squeeze3A_182 : f32 to vector<16xf32>
        %mul3A_184 = arith.mulf %gather3A_180, %mul3A_183 : vector<16xf32>
        %add3A_185 = arith.addf %add3A_177, %mul3A_184 : vector<16xf32>
        %broadcast_in_dim3A_186 = arith.constant 10 : i32
        %broadcast_in_dim3A_187 = vector.broadcast %broadcast_in_dim3A_186 : i32 to vector<16xi32>
        %gather3A_188 = tpu.vector_load_idx %arg8[%add3A_105, %broadcast_in_dim3A_187] : memref<512x64xf32, #tpu.memory_space<vmem>>[vector<16xi32>, vector<16xi32>], vector<16xf32>,
        %slice3A_189 = vector.extract_strided_slice %get3A_108 {offsets = [10], sizes = [1], strides = [1]} : vector<16xf32> to vector<1xf32>
        %squeeze3A_190 = vector.extract %slice3A_189[0] : f32 from vector<1xf32>
        %mul3A_191 = vector.broadcast %squeeze3A_190 : f32 to vector<16xf32>
        %mul3A_192 = arith.mulf %gather3A_188, %mul3A_191 : vector<16xf32>
        %add3A_193 = arith.addf %add3A_185, %mul3A_192 : vector<16xf32>
        %broadcast_in_dim3A_194 = arith.constant 11 : i32
        %broadcast_in_dim3A_195 = vector.broadcast %broadcast_in_dim3A_194 : i32 to vector<16xi32>
        %gather3A_196 = tpu.vector_load_idx %arg8[%add3A_105, %broadcast_in_dim3A_195] : memref<512x64xf32, #tpu.memory_space<vmem>>[vector<16xi32>, vector<16xi32>], vector<16xf32>,
        %slice3A_197 = vector.extract_strided_slice %get3A_108 {offsets = [11], sizes = [1], strides = [1]} : vector<16xf32> to vector<1xf32>
        %squeeze3A_198 = vector.extract %slice3A_197[0] : f32 from vector<1xf32>
        %mul3A_199 = vector.broadcast %squeeze3A_198 : f32 to vector<16xf32>
        %mul3A_200 = arith.mulf %gather3A_196, %mul3A_199 : vector<16xf32>
        %add3A_201 = arith.addf %add3A_193, %mul3A_200 : vector<16xf32>
        %broadcast_in_dim3A_202 = arith.constant 12 : i32
        %broadcast_in_dim3A_203 = vector.broadcast %broadcast_in_dim3A_202 : i32 to vector<16xi32>
        %gather3A_204 = tpu.vector_load_idx %arg8[%add3A_105, %broadcast_in_dim3A_203] : memref<512x64xf32, #tpu.memory_space<vmem>>[vector<16xi32>, vector<16xi32>], vector<16xf32>,
        %slice3A_205 = vector.extract_strided_slice %get3A_108 {offsets = [12], sizes = [1], strides = [1]} : vector<16xf32> to vector<1xf32>
        %squeeze3A_206 = vector.extract %slice3A_205[0] : f32 from vector<1xf32>
        %mul3A_207 = vector.broadcast %squeeze3A_206 : f32 to vector<16xf32>
        %mul3A_208 = arith.mulf %gather3A_204, %mul3A_207 : vector<16xf32>
        %add3A_209 = arith.addf %add3A_201, %mul3A_208 : vector<16xf32>
        %broadcast_in_dim3A_210 = arith.constant 13 : i32
        %broadcast_in_dim3A_211 = vector.broadcast %broadcast_in_dim3A_210 : i32 to vector<16xi32>
        %gather3A_212 = tpu.vector_load_idx %arg8[%add3A_105, %broadcast_in_dim3A_211] : memref<512x64xf32, #tpu.memory_space<vmem>>[vector<16xi32>, vector<16xi32>], vector<16xf32>,
        %slice3A_213 = vector.extract_strided_slice %get3A_108 {offsets = [13], sizes = [1], strides = [1]} : vector<16xf32> to vector<1xf32>
        %squeeze3A_214 = vector.extract %slice3A_213[0] : f32 from vector<1xf32>
        %mul3A_215 = vector.broadcast %squeeze3A_214 : f32 to vector<16xf32>
        %mul3A_216 = arith.mulf %gather3A_212, %mul3A_215 : vector<16xf32>
        %add3A_217 = arith.addf %add3A_209, %mul3A_216 : vector<16xf32>
        %broadcast_in_dim3A_218 = arith.constant 14 : i32
        %broadcast_in_dim3A_219 = vector.broadcast %broadcast_in_dim3A_218 : i32 to vector<16xi32>
        %gather3A_220 = tpu.vector_load_idx %arg8[%add3A_105, %broadcast_in_dim3A_219] : memref<512x64xf32, #tpu.memory_space<vmem>>[vector<16xi32>, vector<16xi32>], vector<16xf32>,
        %slice3A_221 = vector.extract_strided_slice %get3A_108 {offsets = [14], sizes = [1], strides = [1]} : vector<16xf32> to vector<1xf32>
        %squeeze3A_222 = vector.extract %slice3A_221[0] : f32 from vector<1xf32>
        %mul3A_223 = vector.broadcast %squeeze3A_222 : f32 to vector<16xf32>
        %mul3A_224 = arith.mulf %gather3A_220, %mul3A_223 : vector<16xf32>
        %add3A_225 = arith.addf %add3A_217, %mul3A_224 : vector<16xf32>
        %broadcast_in_dim3A_226 = arith.constant 15 : i32
        %broadcast_in_dim3A_227 = vector.broadcast %broadcast_in_dim3A_226 : i32 to vector<16xi32>
        %gather3A_228 = tpu.vector_load_idx %arg8[%add3A_105, %broadcast_in_dim3A_227] : memref<512x64xf32, #tpu.memory_space<vmem>>[vector<16xi32>, vector<16xi32>], vector<16xf32>,
        %slice3A_229 = vector.extract_strided_slice %get3A_108 {offsets = [15], sizes = [1], strides = [1]} : vector<16xf32> to vector<1xf32>
        %squeeze3A_230 = vector.extract %slice3A_229[0] : f32 from vector<1xf32>
        %mul3A_231 = vector.broadcast %squeeze3A_230 : f32 to vector<16xf32>
        %mul3A_232 = arith.mulf %gather3A_228, %mul3A_231 : vector<16xf32>
        %add3A_233 = arith.addf %add3A_225, %mul3A_232 : vector<16xf32>
        %get3A_234 = arith.index_cast %scan3A_101 : i32 to index
        %get3A_235 = arith.constant 16 : index
        %get3A_236 = tpu.vector_load %arg9[%get3A_234, %get3A_235] {strides = array<i32>} : memref<32x64xf32, #tpu.memory_space<vmem>>, vector<16xf32>,
        %broadcast_in_dim3A_237 = arith.constant 16 : i32
        %broadcast_in_dim3A_238 = vector.broadcast %broadcast_in_dim3A_237 : i32 to vector<16xi32>
        %gather3A_239 = tpu.vector_load_idx %arg8[%add3A_105, %broadcast_in_dim3A_238] : memref<512x64xf32, #tpu.memory_space<vmem>>[vector<16xi32>, vector<16xi32>], vector<16xf32>,
        %slice3A_240 = vector.extract_strided_slice %get3A_236 {offsets = [0], sizes = [1], strides = [1]} : vector<16xf32> to vector<1xf32>
        %squeeze3A_241 = vector.extract %slice3A_240[0] : f32 from vector<1xf32>
        %mul3A_242 = vector.broadcast %squeeze3A_241 : f32 to vector<16xf32>
        %mul3A_243 = arith.mulf %gather3A_239, %mul3A_242 : vector<16xf32>
        %add3A_244 = arith.addf %add3A_233, %mul3A_243 : vector<16xf32>
        %broadcast_in_dim3A_245 = arith.constant 17 : i32
        %broadcast_in_dim3A_246 = vector.broadcast %broadcast_in_dim3A_245 : i32 to vector<16xi32>
        %gather3A_247 = tpu.vector_load_idx %arg8[%add3A_105, %broadcast_in_dim3A_246] : memref<512x64xf32, #tpu.memory_space<vmem>>[vector<16xi32>, vector<16xi32>], vector<16xf32>,
        %slice3A_248 = vector.extract_strided_slice %get3A_236 {offsets = [1], sizes = [1], strides = [1]} : vector<16xf32> to vector<1xf32>
        %squeeze3A_249 = vector.extract %slice3A_248[0] : f32 from vector<1xf32>
        %mul3A_250 = vector.broadcast %squeeze3A_249 : f32 to vector<16xf32>
        %mul3A_251 = arith.mulf %gather3A_247, %mul3A_250 : vector<16xf32>
        %add3A_252 = arith.addf %add3A_244, %mul3A_251 : vector<16xf32>
        %broadcast_in_dim3A_253 = arith.constant 18 : i32
        %broadcast_in_dim3A_254 = vector.broadcast %broadcast_in_dim3A_253 : i32 to vector<16xi32>
        %gather3A_255 = tpu.vector_load_idx %arg8[%add3A_105, %broadcast_in_dim3A_254] : memref<512x64xf32, #tpu.memory_space<vmem>>[vector<16xi32>, vector<16xi32>], vector<16xf32>,
        %slice3A_256 = vector.extract_strided_slice %get3A_236 {offsets = [2], sizes = [1], strides = [1]} : vector<16xf32> to vector<1xf32>
        %squeeze3A_257 = vector.extract %slice3A_256[0] : f32 from vector<1xf32>
        %mul3A_258 = vector.broadcast %squeeze3A_257 : f32 to vector<16xf32>
        %mul3A_259 = arith.mulf %gather3A_255, %mul3A_258 : vector<16xf32>
        %add3A_260 = arith.addf %add3A_252, %mul3A_259 : vector<16xf32>
        %broadcast_in_dim3A_261 = arith.constant 19 : i32
        %broadcast_in_dim3A_262 = vector.broadcast %broadcast_in_dim3A_261 : i32 to vector<16xi32>
        %gather3A_263 = tpu.vector_load_idx %arg8[%add3A_105, %broadcast_in_dim3A_262] : memref<512x64xf32, #tpu.memory_space<vmem>>[vector<16xi32>, vector<16xi32>], vector<16xf32>,
        %slice3A_264 = vector.extract_strided_slice %get3A_236 {offsets = [3], sizes = [1], strides = [1]} : vector<16xf32> to vector<1xf32>
        %squeeze3A_265 = vector.extract %slice3A_264[0] : f32 from vector<1xf32>
        %mul3A_266 = vector.broadcast %squeeze3A_265 : f32 to vector<16xf32>
        %mul3A_267 = arith.mulf %gather3A_263, %mul3A_266 : vector<16xf32>
        %add3A_268 = arith.addf %add3A_260, %mul3A_267 : vector<16xf32>
        %broadcast_in_dim3A_269 = arith.constant 20 : i32
        %broadcast_in_dim3A_270 = vector.broadcast %broadcast_in_dim3A_269 : i32 to vector<16xi32>
        %gather3A_271 = tpu.vector_load_idx %arg8[%add3A_105, %broadcast_in_dim3A_270] : memref<512x64xf32, #tpu.memory_space<vmem>>[vector<16xi32>, vector<16xi32>], vector<16xf32>,
        %slice3A_272 = vector.extract_strided_slice %get3A_236 {offsets = [4], sizes = [1], strides = [1]} : vector<16xf32> to vector<1xf32>
        %squeeze3A_273 = vector.extract %slice3A_272[0] : f32 from vector<1xf32>
        %mul3A_274 = vector.broadcast %squeeze3A_273 : f32 to vector<16xf32>
        %mul3A_275 = arith.mulf %gather3A_271, %mul3A_274 : vector<16xf32>
        %add3A_276 = arith.addf %add3A_268, %mul3A_275 : vector<16xf32>
        %broadcast_in_dim3A_277 = arith.constant 21 : i32
        %broadcast_in_dim3A_278 = vector.broadcast %broadcast_in_dim3A_277 : i32 to vector<16xi32>
        %gather3A_279 = tpu.vector_load_idx %arg8[%add3A_105, %broadcast_in_dim3A_278] : memref<512x64xf32, #tpu.memory_space<vmem>>[vector<16xi32>, vector<16xi32>], vector<16xf32>,
        %slice3A_280 = vector.extract_strided_slice %get3A_236 {offsets = [5], sizes = [1], strides = [1]} : vector<16xf32> to vector<1xf32>
        %squeeze3A_281 = vector.extract %slice3A_280[0] : f32 from vector<1xf32>
        %mul3A_282 = vector.broadcast %squeeze3A_281 : f32 to vector<16xf32>
        %mul3A_283 = arith.mulf %gather3A_279, %mul3A_282 : vector<16xf32>
        %add3A_284 = arith.addf %add3A_276, %mul3A_283 : vector<16xf32>
        %broadcast_in_dim3A_285 = arith.constant 22 : i32
        %broadcast_in_dim3A_286 = vector.broadcast %broadcast_in_dim3A_285 : i32 to vector<16xi32>
        %gather3A_287 = tpu.vector_load_idx %arg8[%add3A_105, %broadcast_in_dim3A_286] : memref<512x64xf32, #tpu.memory_space<vmem>>[vector<16xi32>, vector<16xi32>], vector<16xf32>,
        %slice3A_288 = vector.extract_strided_slice %get3A_236 {offsets = [6], sizes = [1], strides = [1]} : vector<16xf32> to vector<1xf32>
        %squeeze3A_289 = vector.extract %slice3A_288[0] : f32 from vector<1xf32>
        %mul3A_290 = vector.broadcast %squeeze3A_289 : f32 to vector<16xf32>
        %mul3A_291 = arith.mulf %gather3A_287, %mul3A_290 : vector<16xf32>
        %add3A_292 = arith.addf %add3A_284, %mul3A_291 : vector<16xf32>
        %broadcast_in_dim3A_293 = arith.constant 23 : i32
        %broadcast_in_dim3A_294 = vector.broadcast %broadcast_in_dim3A_293 : i32 to vector<16xi32>
        %gather3A_295 = tpu.vector_load_idx %arg8[%add3A_105, %broadcast_in_dim3A_294] : memref<512x64xf32, #tpu.memory_space<vmem>>[vector<16xi32>, vector<16xi32>], vector<16xf32>,
        %slice3A_296 = vector.extract_strided_slice %get3A_236 {offsets = [7], sizes = [1], strides = [1]} : vector<16xf32> to vector<1xf32>
        %squeeze3A_297 = vector.extract %slice3A_296[0] : f32 from vector<1xf32>
        %mul3A_298 = vector.broadcast %squeeze3A_297 : f32 to vector<16xf32>
        %mul3A_299 = arith.mulf %gather3A_295, %mul3A_298 : vector<16xf32>
        %add3A_300 = arith.addf %add3A_292, %mul3A_299 : vector<16xf32>
        %broadcast_in_dim3A_301 = arith.constant 24 : i32
        %broadcast_in_dim3A_302 = vector.broadcast %broadcast_in_dim3A_301 : i32 to vector<16xi32>
        %gather3A_303 = tpu.vector_load_idx %arg8[%add3A_105, %broadcast_in_dim3A_302] : memref<512x64xf32, #tpu.memory_space<vmem>>[vector<16xi32>, vector<16xi32>], vector<16xf32>,
        %slice3A_304 = vector.extract_strided_slice %get3A_236 {offsets = [8], sizes = [1], strides = [1]} : vector<16xf32> to vector<1xf32>
        %squeeze3A_305 = vector.extract %slice3A_304[0] : f32 from vector<1xf32>
        %mul3A_306 = vector.broadcast %squeeze3A_305 : f32 to vector<16xf32>
        %mul3A_307 = arith.mulf %gather3A_303, %mul3A_306 : vector<16xf32>
        %add3A_308 = arith.addf %add3A_300, %mul3A_307 : vector<16xf32>
        %broadcast_in_dim3A_309 = arith.constant 25 : i32
        %broadcast_in_dim3A_310 = vector.broadcast %broadcast_in_dim3A_309 : i32 to vector<16xi32>
        %gather3A_311 = tpu.vector_load_idx %arg8[%add3A_105, %broadcast_in_dim3A_310] : memref<512x64xf32, #tpu.memory_space<vmem>>[vector<16xi32>, vector<16xi32>], vector<16xf32>,
        %slice3A_312 = vector.extract_strided_slice %get3A_236 {offsets = [9], sizes = [1], strides = [1]} : vector<16xf32> to vector<1xf32>
        %squeeze3A_313 = vector.extract %slice3A_312[0] : f32 from vector<1xf32>
        %mul3A_314 = vector.broadcast %squeeze3A_313 : f32 to vector<16xf32>
        %mul3A_315 = arith.mulf %gather3A_311, %mul3A_314 : vector<16xf32>
        %add3A_316 = arith.addf %add3A_308, %mul3A_315 : vector<16xf32>
        %broadcast_in_dim3A_317 = arith.constant 26 : i32
        %broadcast_in_dim3A_318 = vector.broadcast %broadcast_in_dim3A_317 : i32 to vector<16xi32>
        %gather3A_319 = tpu.vector_load_idx %arg8[%add3A_105, %broadcast_in_dim3A_318] : memref<512x64xf32, #tpu.memory_space<vmem>>[vector<16xi32>, vector<16xi32>], vector<16xf32>,
        %slice3A_320 = vector.extract_strided_slice %get3A_236 {offsets = [10], sizes = [1], strides = [1]} : vector<16xf32> to vector<1xf32>
        %squeeze3A_321 = vector.extract %slice3A_320[0] : f32 from vector<1xf32>
        %mul3A_322 = vector.broadcast %squeeze3A_321 : f32 to vector<16xf32>
        %mul3A_323 = arith.mulf %gather3A_319, %mul3A_322 : vector<16xf32>
        %add3A_324 = arith.addf %add3A_316, %mul3A_323 : vector<16xf32>
        %broadcast_in_dim3A_325 = arith.constant 27 : i32
        %broadcast_in_dim3A_326 = vector.broadcast %broadcast_in_dim3A_325 : i32 to vector<16xi32>
        %gather3A_327 = tpu.vector_load_idx %arg8[%add3A_105, %broadcast_in_dim3A_326] : memref<512x64xf32, #tpu.memory_space<vmem>>[vector<16xi32>, vector<16xi32>], vector<16xf32>,
        %slice3A_328 = vector.extract_strided_slice %get3A_236 {offsets = [11], sizes = [1], strides = [1]} : vector<16xf32> to vector<1xf32>
        %squeeze3A_329 = vector.extract %slice3A_328[0] : f32 from vector<1xf32>
        %mul3A_330 = vector.broadcast %squeeze3A_329 : f32 to vector<16xf32>
        %mul3A_331 = arith.mulf %gather3A_327, %mul3A_330 : vector<16xf32>
        %add3A_332 = arith.addf %add3A_324, %mul3A_331 : vector<16xf32>
        %broadcast_in_dim3A_333 = arith.constant 28 : i32
        %broadcast_in_dim3A_334 = vector.broadcast %broadcast_in_dim3A_333 : i32 to vector<16xi32>
        %gather3A_335 = tpu.vector_load_idx %arg8[%add3A_105, %broadcast_in_dim3A_334] : memref<512x64xf32, #tpu.memory_space<vmem>>[vector<16xi32>, vector<16xi32>], vector<16xf32>,
        %slice3A_336 = vector.extract_strided_slice %get3A_236 {offsets = [12], sizes = [1], strides = [1]} : vector<16xf32> to vector<1xf32>
        %squeeze3A_337 = vector.extract %slice3A_336[0] : f32 from vector<1xf32>
        %mul3A_338 = vector.broadcast %squeeze3A_337 : f32 to vector<16xf32>
        %mul3A_339 = arith.mulf %gather3A_335, %mul3A_338 : vector<16xf32>
        %add3A_340 = arith.addf %add3A_332, %mul3A_339 : vector<16xf32>
        %broadcast_in_dim3A_341 = arith.constant 29 : i32
        %broadcast_in_dim3A_342 = vector.broadcast %broadcast_in_dim3A_341 : i32 to vector<16xi32>
        %gather3A_343 = tpu.vector_load_idx %arg8[%add3A_105, %broadcast_in_dim3A_342] : memref<512x64xf32, #tpu.memory_space<vmem>>[vector<16xi32>, vector<16xi32>], vector<16xf32>,
        %slice3A_344 = vector.extract_strided_slice %get3A_236 {offsets = [13], sizes = [1], strides = [1]} : vector<16xf32> to vector<1xf32>
        %squeeze3A_345 = vector.extract %slice3A_344[0] : f32 from vector<1xf32>
        %mul3A_346 = vector.broadcast %squeeze3A_345 : f32 to vector<16xf32>
        %mul3A_347 = arith.mulf %gather3A_343, %mul3A_346 : vector<16xf32>
        %add3A_348 = arith.addf %add3A_340, %mul3A_347 : vector<16xf32>
        %broadcast_in_dim3A_349 = arith.constant 30 : i32
        %broadcast_in_dim3A_350 = vector.broadcast %broadcast_in_dim3A_349 : i32 to vector<16xi32>
        %gather3A_351 = tpu.vector_load_idx %arg8[%add3A_105, %broadcast_in_dim3A_350] : memref<512x64xf32, #tpu.memory_space<vmem>>[vector<16xi32>, vector<16xi32>], vector<16xf32>,
        %slice3A_352 = vector.extract_strided_slice %get3A_236 {offsets = [14], sizes = [1], strides = [1]} : vector<16xf32> to vector<1xf32>
        %squeeze3A_353 = vector.extract %slice3A_352[0] : f32 from vector<1xf32>
        %mul3A_354 = vector.broadcast %squeeze3A_353 : f32 to vector<16xf32>
        %mul3A_355 = arith.mulf %gather3A_351, %mul3A_354 : vector<16xf32>
        %add3A_356 = arith.addf %add3A_348, %mul3A_355 : vector<16xf32>
        %broadcast_in_dim3A_357 = arith.constant 31 : i32
        %broadcast_in_dim3A_358 = vector.broadcast %broadcast_in_dim3A_357 : i32 to vector<16xi32>
        %gather3A_359 = tpu.vector_load_idx %arg8[%add3A_105, %broadcast_in_dim3A_358] : memref<512x64xf32, #tpu.memory_space<vmem>>[vector<16xi32>, vector<16xi32>], vector<16xf32>,
        %slice3A_360 = vector.extract_strided_slice %get3A_236 {offsets = [15], sizes = [1], strides = [1]} : vector<16xf32> to vector<1xf32>
        %squeeze3A_361 = vector.extract %slice3A_360[0] : f32 from vector<1xf32>
        %mul3A_362 = vector.broadcast %squeeze3A_361 : f32 to vector<16xf32>
        %mul3A_363 = arith.mulf %gather3A_359, %mul3A_362 : vector<16xf32>
        %add3A_364 = arith.addf %add3A_356, %mul3A_363 : vector<16xf32>
        %get3A_365 = arith.index_cast %scan3A_101 : i32 to index
        %get3A_366 = arith.constant 32 : index
        %get3A_367 = tpu.vector_load %arg9[%get3A_365, %get3A_366] {strides = array<i32>} : memref<32x64xf32, #tpu.memory_space<vmem>>, vector<16xf32>,
        %broadcast_in_dim3A_368 = arith.constant 32 : i32
        %broadcast_in_dim3A_369 = vector.broadcast %broadcast_in_dim3A_368 : i32 to vector<16xi32>
        %gather3A_370 = tpu.vector_load_idx %arg8[%add3A_105, %broadcast_in_dim3A_369] : memref<512x64xf32, #tpu.memory_space<vmem>>[vector<16xi32>, vector<16xi32>], vector<16xf32>,
        %slice3A_371 = vector.extract_strided_slice %get3A_367 {offsets = [0], sizes = [1], strides = [1]} : vector<16xf32> to vector<1xf32>
        %squeeze3A_372 = vector.extract %slice3A_371[0] : f32 from vector<1xf32>
        %mul3A_373 = vector.broadcast %squeeze3A_372 : f32 to vector<16xf32>
        %mul3A_374 = arith.mulf %gather3A_370, %mul3A_373 : vector<16xf32>
        %add3A_375 = arith.addf %add3A_364, %mul3A_374 : vector<16xf32>
        %broadcast_in_dim3A_376 = arith.constant 33 : i32
        %broadcast_in_dim3A_377 = vector.broadcast %broadcast_in_dim3A_376 : i32 to vector<16xi32>
        %gather3A_378 = tpu.vector_load_idx %arg8[%add3A_105, %broadcast_in_dim3A_377] : memref<512x64xf32, #tpu.memory_space<vmem>>[vector<16xi32>, vector<16xi32>], vector<16xf32>,
        %slice3A_379 = vector.extract_strided_slice %get3A_367 {offsets = [1], sizes = [1], strides = [1]} : vector<16xf32> to vector<1xf32>
        %squeeze3A_380 = vector.extract %slice3A_379[0] : f32 from vector<1xf32>
        %mul3A_381 = vector.broadcast %squeeze3A_380 : f32 to vector<16xf32>
        %mul3A_382 = arith.mulf %gather3A_378, %mul3A_381 : vector<16xf32>
        %add3A_383 = arith.addf %add3A_375, %mul3A_382 : vector<16xf32>
        %broadcast_in_dim3A_384 = arith.constant 34 : i32
        %broadcast_in_dim3A_385 = vector.broadcast %broadcast_in_dim3A_384 : i32 to vector<16xi32>
        %gather3A_386 = tpu.vector_load_idx %arg8[%add3A_105, %broadcast_in_dim3A_385] : memref<512x64xf32, #tpu.memory_space<vmem>>[vector<16xi32>, vector<16xi32>], vector<16xf32>,
        %slice3A_387 = vector.extract_strided_slice %get3A_367 {offsets = [2], sizes = [1], strides = [1]} : vector<16xf32> to vector<1xf32>
        %squeeze3A_388 = vector.extract %slice3A_387[0] : f32 from vector<1xf32>
        %mul3A_389 = vector.broadcast %squeeze3A_388 : f32 to vector<16xf32>
        %mul3A_390 = arith.mulf %gather3A_386, %mul3A_389 : vector<16xf32>
        %add3A_391 = arith.addf %add3A_383, %mul3A_390 : vector<16xf32>
        %broadcast_in_dim3A_392 = arith.constant 35 : i32
        %broadcast_in_dim3A_393 = vector.broadcast %broadcast_in_dim3A_392 : i32 to vector<16xi32>
        %gather3A_394 = tpu.vector_load_idx %arg8[%add3A_105, %broadcast_in_dim3A_393] : memref<512x64xf32, #tpu.memory_space<vmem>>[vector<16xi32>, vector<16xi32>], vector<16xf32>,
        %slice3A_395 = vector.extract_strided_slice %get3A_367 {offsets = [3], sizes = [1], strides = [1]} : vector<16xf32> to vector<1xf32>
        %squeeze3A_396 = vector.extract %slice3A_395[0] : f32 from vector<1xf32>
        %mul3A_397 = vector.broadcast %squeeze3A_396 : f32 to vector<16xf32>
        %mul3A_398 = arith.mulf %gather3A_394, %mul3A_397 : vector<16xf32>
        %add3A_399 = arith.addf %add3A_391, %mul3A_398 : vector<16xf32>
        %broadcast_in_dim3A_400 = arith.constant 36 : i32
        %broadcast_in_dim3A_401 = vector.broadcast %broadcast_in_dim3A_400 : i32 to vector<16xi32>
        %gather3A_402 = tpu.vector_load_idx %arg8[%add3A_105, %broadcast_in_dim3A_401] : memref<512x64xf32, #tpu.memory_space<vmem>>[vector<16xi32>, vector<16xi32>], vector<16xf32>,
        %slice3A_403 = vector.extract_strided_slice %get3A_367 {offsets = [4], sizes = [1], strides = [1]} : vector<16xf32> to vector<1xf32>
        %squeeze3A_404 = vector.extract %slice3A_403[0] : f32 from vector<1xf32>
        %mul3A_405 = vector.broadcast %squeeze3A_404 : f32 to vector<16xf32>
        %mul3A_406 = arith.mulf %gather3A_402, %mul3A_405 : vector<16xf32>
        %add3A_407 = arith.addf %add3A_399, %mul3A_406 : vector<16xf32>
        %broadcast_in_dim3A_408 = arith.constant 37 : i32
        %broadcast_in_dim3A_409 = vector.broadcast %broadcast_in_dim3A_408 : i32 to vector<16xi32>
        %gather3A_410 = tpu.vector_load_idx %arg8[%add3A_105, %broadcast_in_dim3A_409] : memref<512x64xf32, #tpu.memory_space<vmem>>[vector<16xi32>, vector<16xi32>], vector<16xf32>,
        %slice3A_411 = vector.extract_strided_slice %get3A_367 {offsets = [5], sizes = [1], strides = [1]} : vector<16xf32> to vector<1xf32>
        %squeeze3A_412 = vector.extract %slice3A_411[0] : f32 from vector<1xf32>
        %mul3A_413 = vector.broadcast %squeeze3A_412 : f32 to vector<16xf32>
        %mul3A_414 = arith.mulf %gather3A_410, %mul3A_413 : vector<16xf32>
        %add3A_415 = arith.addf %add3A_407, %mul3A_414 : vector<16xf32>
        %broadcast_in_dim3A_416 = arith.constant 38 : i32
        %broadcast_in_dim3A_417 = vector.broadcast %broadcast_in_dim3A_416 : i32 to vector<16xi32>
        %gather3A_418 = tpu.vector_load_idx %arg8[%add3A_105, %broadcast_in_dim3A_417] : memref<512x64xf32, #tpu.memory_space<vmem>>[vector<16xi32>, vector<16xi32>], vector<16xf32>,
        %slice3A_419 = vector.extract_strided_slice %get3A_367 {offsets = [6], sizes = [1], strides = [1]} : vector<16xf32> to vector<1xf32>
        %squeeze3A_420 = vector.extract %slice3A_419[0] : f32 from vector<1xf32>
        %mul3A_421 = vector.broadcast %squeeze3A_420 : f32 to vector<16xf32>
        %mul3A_422 = arith.mulf %gather3A_418, %mul3A_421 : vector<16xf32>
        %add3A_423 = arith.addf %add3A_415, %mul3A_422 : vector<16xf32>
        %broadcast_in_dim3A_424 = arith.constant 39 : i32
        %broadcast_in_dim3A_425 = vector.broadcast %broadcast_in_dim3A_424 : i32 to vector<16xi32>
        %gather3A_426 = tpu.vector_load_idx %arg8[%add3A_105, %broadcast_in_dim3A_425] : memref<512x64xf32, #tpu.memory_space<vmem>>[vector<16xi32>, vector<16xi32>], vector<16xf32>,
        %slice3A_427 = vector.extract_strided_slice %get3A_367 {offsets = [7], sizes = [1], strides = [1]} : vector<16xf32> to vector<1xf32>
        %squeeze3A_428 = vector.extract %slice3A_427[0] : f32 from vector<1xf32>
        %mul3A_429 = vector.broadcast %squeeze3A_428 : f32 to vector<16xf32>
        %mul3A_430 = arith.mulf %gather3A_426, %mul3A_429 : vector<16xf32>
        %add3A_431 = arith.addf %add3A_423, %mul3A_430 : vector<16xf32>
        %broadcast_in_dim3A_432 = arith.constant 40 : i32
        %broadcast_in_dim3A_433 = vector.broadcast %broadcast_in_dim3A_432 : i32 to vector<16xi32>
        %gather3A_434 = tpu.vector_load_idx %arg8[%add3A_105, %broadcast_in_dim3A_433] : memref<512x64xf32, #tpu.memory_space<vmem>>[vector<16xi32>, vector<16xi32>], vector<16xf32>,
        %slice3A_435 = vector.extract_strided_slice %get3A_367 {offsets = [8], sizes = [1], strides = [1]} : vector<16xf32> to vector<1xf32>
        %squeeze3A_436 = vector.extract %slice3A_435[0] : f32 from vector<1xf32>
        %mul3A_437 = vector.broadcast %squeeze3A_436 : f32 to vector<16xf32>
        %mul3A_438 = arith.mulf %gather3A_434, %mul3A_437 : vector<16xf32>
        %add3A_439 = arith.addf %add3A_431, %mul3A_438 : vector<16xf32>
        %broadcast_in_dim3A_440 = arith.constant 41 : i32
        %broadcast_in_dim3A_441 = vector.broadcast %broadcast_in_dim3A_440 : i32 to vector<16xi32>
        %gather3A_442 = tpu.vector_load_idx %arg8[%add3A_105, %broadcast_in_dim3A_441] : memref<512x64xf32, #tpu.memory_space<vmem>>[vector<16xi32>, vector<16xi32>], vector<16xf32>,
        %slice3A_443 = vector.extract_strided_slice %get3A_367 {offsets = [9], sizes = [1], strides = [1]} : vector<16xf32> to vector<1xf32>
        %squeeze3A_444 = vector.extract %slice3A_443[0] : f32 from vector<1xf32>
        %mul3A_445 = vector.broadcast %squeeze3A_444 : f32 to vector<16xf32>
        %mul3A_446 = arith.mulf %gather3A_442, %mul3A_445 : vector<16xf32>
        %add3A_447 = arith.addf %add3A_439, %mul3A_446 : vector<16xf32>
        %broadcast_in_dim3A_448 = arith.constant 42 : i32
        %broadcast_in_dim3A_449 = vector.broadcast %broadcast_in_dim3A_448 : i32 to vector<16xi32>
        %gather3A_450 = tpu.vector_load_idx %arg8[%add3A_105, %broadcast_in_dim3A_449] : memref<512x64xf32, #tpu.memory_space<vmem>>[vector<16xi32>, vector<16xi32>], vector<16xf32>,
        %slice3A_451 = vector.extract_strided_slice %get3A_367 {offsets = [10], sizes = [1], strides = [1]} : vector<16xf32> to vector<1xf32>
        %squeeze3A_452 = vector.extract %slice3A_451[0] : f32 from vector<1xf32>
        %mul3A_453 = vector.broadcast %squeeze3A_452 : f32 to vector<16xf32>
        %mul3A_454 = arith.mulf %gather3A_450, %mul3A_453 : vector<16xf32>
        %add3A_455 = arith.addf %add3A_447, %mul3A_454 : vector<16xf32>
        %broadcast_in_dim3A_456 = arith.constant 43 : i32
        %broadcast_in_dim3A_457 = vector.broadcast %broadcast_in_dim3A_456 : i32 to vector<16xi32>
        %gather3A_458 = tpu.vector_load_idx %arg8[%add3A_105, %broadcast_in_dim3A_457] : memref<512x64xf32, #tpu.memory_space<vmem>>[vector<16xi32>, vector<16xi32>], vector<16xf32>,
        %slice3A_459 = vector.extract_strided_slice %get3A_367 {offsets = [11], sizes = [1], strides = [1]} : vector<16xf32> to vector<1xf32>
        %squeeze3A_460 = vector.extract %slice3A_459[0] : f32 from vector<1xf32>
        %mul3A_461 = vector.broadcast %squeeze3A_460 : f32 to vector<16xf32>
        %mul3A_462 = arith.mulf %gather3A_458, %mul3A_461 : vector<16xf32>
        %add3A_463 = arith.addf %add3A_455, %mul3A_462 : vector<16xf32>
        %broadcast_in_dim3A_464 = arith.constant 44 : i32
        %broadcast_in_dim3A_465 = vector.broadcast %broadcast_in_dim3A_464 : i32 to vector<16xi32>
        %gather3A_466 = tpu.vector_load_idx %arg8[%add3A_105, %broadcast_in_dim3A_465] : memref<512x64xf32, #tpu.memory_space<vmem>>[vector<16xi32>, vector<16xi32>], vector<16xf32>,
        %slice3A_467 = vector.extract_strided_slice %get3A_367 {offsets = [12], sizes = [1], strides = [1]} : vector<16xf32> to vector<1xf32>
        %squeeze3A_468 = vector.extract %slice3A_467[0] : f32 from vector<1xf32>
        %mul3A_469 = vector.broadcast %squeeze3A_468 : f32 to vector<16xf32>
        %mul3A_470 = arith.mulf %gather3A_466, %mul3A_469 : vector<16xf32>
        %add3A_471 = arith.addf %add3A_463, %mul3A_470 : vector<16xf32>
        %broadcast_in_dim3A_472 = arith.constant 45 : i32
        %broadcast_in_dim3A_473 = vector.broadcast %broadcast_in_dim3A_472 : i32 to vector<16xi32>
        %gather3A_474 = tpu.vector_load_idx %arg8[%add3A_105, %broadcast_in_dim3A_473] : memref<512x64xf32, #tpu.memory_space<vmem>>[vector<16xi32>, vector<16xi32>], vector<16xf32>,
        %slice3A_475 = vector.extract_strided_slice %get3A_367 {offsets = [13], sizes = [1], strides = [1]} : vector<16xf32> to vector<1xf32>
        %squeeze3A_476 = vector.extract %slice3A_475[0] : f32 from vector<1xf32>
        %mul3A_477 = vector.broadcast %squeeze3A_476 : f32 to vector<16xf32>
        %mul3A_478 = arith.mulf %gather3A_474, %mul3A_477 : vector<16xf32>
        %add3A_479 = arith.addf %add3A_471, %mul3A_478 : vector<16xf32>
        %broadcast_in_dim3A_480 = arith.constant 46 : i32
        %broadcast_in_dim3A_481 = vector.broadcast %broadcast_in_dim3A_480 : i32 to vector<16xi32>
        %gather3A_482 = tpu.vector_load_idx %arg8[%add3A_105, %broadcast_in_dim3A_481] : memref<512x64xf32, #tpu.memory_space<vmem>>[vector<16xi32>, vector<16xi32>], vector<16xf32>,
        %slice3A_483 = vector.extract_strided_slice %get3A_367 {offsets = [14], sizes = [1], strides = [1]} : vector<16xf32> to vector<1xf32>
        %squeeze3A_484 = vector.extract %slice3A_483[0] : f32 from vector<1xf32>
        %mul3A_485 = vector.broadcast %squeeze3A_484 : f32 to vector<16xf32>
        %mul3A_486 = arith.mulf %gather3A_482, %mul3A_485 : vector<16xf32>
        %add3A_487 = arith.addf %add3A_479, %mul3A_486 : vector<16xf32>
        %broadcast_in_dim3A_488 = arith.constant 47 : i32
        %broadcast_in_dim3A_489 = vector.broadcast %broadcast_in_dim3A_488 : i32 to vector<16xi32>
        %gather3A_490 = tpu.vector_load_idx %arg8[%add3A_105, %broadcast_in_dim3A_489] : memref<512x64xf32, #tpu.memory_space<vmem>>[vector<16xi32>, vector<16xi32>], vector<16xf32>,
        %slice3A_491 = vector.extract_strided_slice %get3A_367 {offsets = [15], sizes = [1], strides = [1]} : vector<16xf32> to vector<1xf32>
        %squeeze3A_492 = vector.extract %slice3A_491[0] : f32 from vector<1xf32>
        %mul3A_493 = vector.broadcast %squeeze3A_492 : f32 to vector<16xf32>
        %mul3A_494 = arith.mulf %gather3A_490, %mul3A_493 : vector<16xf32>
        %add3A_495 = arith.addf %add3A_487, %mul3A_494 : vector<16xf32>
        %get3A_496 = arith.index_cast %scan3A_101 : i32 to index
        %get3A_497 = arith.constant 48 : index
        %get3A_498 = tpu.vector_load %arg9[%get3A_496, %get3A_497] {strides = array<i32>} : memref<32x64xf32, #tpu.memory_space<vmem>>, vector<16xf32>,
        %broadcast_in_dim3A_499 = arith.constant 48 : i32
        %broadcast_in_dim3A_500 = vector.broadcast %broadcast_in_dim3A_499 : i32 to vector<16xi32>
        %gather3A_501 = tpu.vector_load_idx %arg8[%add3A_105, %broadcast_in_dim3A_500] : memref<512x64xf32, #tpu.memory_space<vmem>>[vector<16xi32>, vector<16xi32>], vector<16xf32>,
        %slice3A_502 = vector.extract_strided_slice %get3A_498 {offsets = [0], sizes = [1], strides = [1]} : vector<16xf32> to vector<1xf32>
        %squeeze3A_503 = vector.extract %slice3A_502[0] : f32 from vector<1xf32>
        %mul3A_504 = vector.broadcast %squeeze3A_503 : f32 to vector<16xf32>
        %mul3A_505 = arith.mulf %gather3A_501, %mul3A_504 : vector<16xf32>
        %add3A_506 = arith.addf %add3A_495, %mul3A_505 : vector<16xf32>
        %broadcast_in_dim3A_507 = arith.constant 49 : i32
        %broadcast_in_dim3A_508 = vector.broadcast %broadcast_in_dim3A_507 : i32 to vector<16xi32>
        %gather3A_509 = tpu.vector_load_idx %arg8[%add3A_105, %broadcast_in_dim3A_508] : memref<512x64xf32, #tpu.memory_space<vmem>>[vector<16xi32>, vector<16xi32>], vector<16xf32>,
        %slice3A_510 = vector.extract_strided_slice %get3A_498 {offsets = [1], sizes = [1], strides = [1]} : vector<16xf32> to vector<1xf32>
        %squeeze3A_511 = vector.extract %slice3A_510[0] : f32 from vector<1xf32>
        %mul3A_512 = vector.broadcast %squeeze3A_511 : f32 to vector<16xf32>
        %mul3A_513 = arith.mulf %gather3A_509, %mul3A_512 : vector<16xf32>
        %add3A_514 = arith.addf %add3A_506, %mul3A_513 : vector<16xf32>
        %broadcast_in_dim3A_515 = arith.constant 50 : i32
        %broadcast_in_dim3A_516 = vector.broadcast %broadcast_in_dim3A_515 : i32 to vector<16xi32>
        %gather3A_517 = tpu.vector_load_idx %arg8[%add3A_105, %broadcast_in_dim3A_516] : memref<512x64xf32, #tpu.memory_space<vmem>>[vector<16xi32>, vector<16xi32>], vector<16xf32>,
        %slice3A_518 = vector.extract_strided_slice %get3A_498 {offsets = [2], sizes = [1], strides = [1]} : vector<16xf32> to vector<1xf32>
        %squeeze3A_519 = vector.extract %slice3A_518[0] : f32 from vector<1xf32>
        %mul3A_520 = vector.broadcast %squeeze3A_519 : f32 to vector<16xf32>
        %mul3A_521 = arith.mulf %gather3A_517, %mul3A_520 : vector<16xf32>
        %add3A_522 = arith.addf %add3A_514, %mul3A_521 : vector<16xf32>
        %broadcast_in_dim3A_523 = arith.constant 51 : i32
        %broadcast_in_dim3A_524 = vector.broadcast %broadcast_in_dim3A_523 : i32 to vector<16xi32>
        %gather3A_525 = tpu.vector_load_idx %arg8[%add3A_105, %broadcast_in_dim3A_524] : memref<512x64xf32, #tpu.memory_space<vmem>>[vector<16xi32>, vector<16xi32>], vector<16xf32>,
        %slice3A_526 = vector.extract_strided_slice %get3A_498 {offsets = [3], sizes = [1], strides = [1]} : vector<16xf32> to vector<1xf32>
        %squeeze3A_527 = vector.extract %slice3A_526[0] : f32 from vector<1xf32>
        %mul3A_528 = vector.broadcast %squeeze3A_527 : f32 to vector<16xf32>
        %mul3A_529 = arith.mulf %gather3A_525, %mul3A_528 : vector<16xf32>
        %add3A_530 = arith.addf %add3A_522, %mul3A_529 : vector<16xf32>
        %broadcast_in_dim3A_531 = arith.constant 52 : i32
        %broadcast_in_dim3A_532 = vector.broadcast %broadcast_in_dim3A_531 : i32 to vector<16xi32>
        %gather3A_533 = tpu.vector_load_idx %arg8[%add3A_105, %broadcast_in_dim3A_532] : memref<512x64xf32, #tpu.memory_space<vmem>>[vector<16xi32>, vector<16xi32>], vector<16xf32>,
        %slice3A_534 = vector.extract_strided_slice %get3A_498 {offsets = [4], sizes = [1], strides = [1]} : vector<16xf32> to vector<1xf32>
        %squeeze3A_535 = vector.extract %slice3A_534[0] : f32 from vector<1xf32>
        %mul3A_536 = vector.broadcast %squeeze3A_535 : f32 to vector<16xf32>
        %mul3A_537 = arith.mulf %gather3A_533, %mul3A_536 : vector<16xf32>
        %add3A_538 = arith.addf %add3A_530, %mul3A_537 : vector<16xf32>
        %broadcast_in_dim3A_539 = arith.constant 53 : i32
        %broadcast_in_dim3A_540 = vector.broadcast %broadcast_in_dim3A_539 : i32 to vector<16xi32>
        %gather3A_541 = tpu.vector_load_idx %arg8[%add3A_105, %broadcast_in_dim3A_540] : memref<512x64xf32, #tpu.memory_space<vmem>>[vector<16xi32>, vector<16xi32>], vector<16xf32>,
        %slice3A_542 = vector.extract_strided_slice %get3A_498 {offsets = [5], sizes = [1], strides = [1]} : vector<16xf32> to vector<1xf32>
        %squeeze3A_543 = vector.extract %slice3A_542[0] : f32 from vector<1xf32>
        %mul3A_544 = vector.broadcast %squeeze3A_543 : f32 to vector<16xf32>
        %mul3A_545 = arith.mulf %gather3A_541, %mul3A_544 : vector<16xf32>
        %add3A_546 = arith.addf %add3A_538, %mul3A_545 : vector<16xf32>
        %broadcast_in_dim3A_547 = arith.constant 54 : i32
        %broadcast_in_dim3A_548 = vector.broadcast %broadcast_in_dim3A_547 : i32 to vector<16xi32>
        %gather3A_549 = tpu.vector_load_idx %arg8[%add3A_105, %broadcast_in_dim3A_548] : memref<512x64xf32, #tpu.memory_space<vmem>>[vector<16xi32>, vector<16xi32>], vector<16xf32>,
        %slice3A_550 = vector.extract_strided_slice %get3A_498 {offsets = [6], sizes = [1], strides = [1]} : vector<16xf32> to vector<1xf32>
        %squeeze3A_551 = vector.extract %slice3A_550[0] : f32 from vector<1xf32>
        %mul3A_552 = vector.broadcast %squeeze3A_551 : f32 to vector<16xf32>
        %mul3A_553 = arith.mulf %gather3A_549, %mul3A_552 : vector<16xf32>
        %add3A_554 = arith.addf %add3A_546, %mul3A_553 : vector<16xf32>
        %broadcast_in_dim3A_555 = arith.constant 55 : i32
        %broadcast_in_dim3A_556 = vector.broadcast %broadcast_in_dim3A_555 : i32 to vector<16xi32>
        %gather3A_557 = tpu.vector_load_idx %arg8[%add3A_105, %broadcast_in_dim3A_556] : memref<512x64xf32, #tpu.memory_space<vmem>>[vector<16xi32>, vector<16xi32>], vector<16xf32>,
        %slice3A_558 = vector.extract_strided_slice %get3A_498 {offsets = [7], sizes = [1], strides = [1]} : vector<16xf32> to vector<1xf32>
        %squeeze3A_559 = vector.extract %slice3A_558[0] : f32 from vector<1xf32>
        %mul3A_560 = vector.broadcast %squeeze3A_559 : f32 to vector<16xf32>
        %mul3A_561 = arith.mulf %gather3A_557, %mul3A_560 : vector<16xf32>
        %add3A_562 = arith.addf %add3A_554, %mul3A_561 : vector<16xf32>
        %broadcast_in_dim3A_563 = arith.constant 56 : i32
        %broadcast_in_dim3A_564 = vector.broadcast %broadcast_in_dim3A_563 : i32 to vector<16xi32>
        %gather3A_565 = tpu.vector_load_idx %arg8[%add3A_105, %broadcast_in_dim3A_564] : memref<512x64xf32, #tpu.memory_space<vmem>>[vector<16xi32>, vector<16xi32>], vector<16xf32>,
        %slice3A_566 = vector.extract_strided_slice %get3A_498 {offsets = [8], sizes = [1], strides = [1]} : vector<16xf32> to vector<1xf32>
        %squeeze3A_567 = vector.extract %slice3A_566[0] : f32 from vector<1xf32>
        %mul3A_568 = vector.broadcast %squeeze3A_567 : f32 to vector<16xf32>
        %mul3A_569 = arith.mulf %gather3A_565, %mul3A_568 : vector<16xf32>
        %add3A_570 = arith.addf %add3A_562, %mul3A_569 : vector<16xf32>
        %broadcast_in_dim3A_571 = arith.constant 57 : i32
        %broadcast_in_dim3A_572 = vector.broadcast %broadcast_in_dim3A_571 : i32 to vector<16xi32>
        %gather3A_573 = tpu.vector_load_idx %arg8[%add3A_105, %broadcast_in_dim3A_572] : memref<512x64xf32, #tpu.memory_space<vmem>>[vector<16xi32>, vector<16xi32>], vector<16xf32>,
        %slice3A_574 = vector.extract_strided_slice %get3A_498 {offsets = [9], sizes = [1], strides = [1]} : vector<16xf32> to vector<1xf32>
        %squeeze3A_575 = vector.extract %slice3A_574[0] : f32 from vector<1xf32>
        %mul3A_576 = vector.broadcast %squeeze3A_575 : f32 to vector<16xf32>
        %mul3A_577 = arith.mulf %gather3A_573, %mul3A_576 : vector<16xf32>
        %add3A_578 = arith.addf %add3A_570, %mul3A_577 : vector<16xf32>
        %broadcast_in_dim3A_579 = arith.constant 58 : i32
        %broadcast_in_dim3A_580 = vector.broadcast %broadcast_in_dim3A_579 : i32 to vector<16xi32>
        %gather3A_581 = tpu.vector_load_idx %arg8[%add3A_105, %broadcast_in_dim3A_580] : memref<512x64xf32, #tpu.memory_space<vmem>>[vector<16xi32>, vector<16xi32>], vector<16xf32>,
        %slice3A_582 = vector.extract_strided_slice %get3A_498 {offsets = [10], sizes = [1], strides = [1]} : vector<16xf32> to vector<1xf32>
        %squeeze3A_583 = vector.extract %slice3A_582[0] : f32 from vector<1xf32>
        %mul3A_584 = vector.broadcast %squeeze3A_583 : f32 to vector<16xf32>
        %mul3A_585 = arith.mulf %gather3A_581, %mul3A_584 : vector<16xf32>
        %add3A_586 = arith.addf %add3A_578, %mul3A_585 : vector<16xf32>
        %broadcast_in_dim3A_587 = arith.constant 59 : i32
        %broadcast_in_dim3A_588 = vector.broadcast %broadcast_in_dim3A_587 : i32 to vector<16xi32>
        %gather3A_589 = tpu.vector_load_idx %arg8[%add3A_105, %broadcast_in_dim3A_588] : memref<512x64xf32, #tpu.memory_space<vmem>>[vector<16xi32>, vector<16xi32>], vector<16xf32>,
        %slice3A_590 = vector.extract_strided_slice %get3A_498 {offsets = [11], sizes = [1], strides = [1]} : vector<16xf32> to vector<1xf32>
        %squeeze3A_591 = vector.extract %slice3A_590[0] : f32 from vector<1xf32>
        %mul3A_592 = vector.broadcast %squeeze3A_591 : f32 to vector<16xf32>
        %mul3A_593 = arith.mulf %gather3A_589, %mul3A_592 : vector<16xf32>
        %add3A_594 = arith.addf %add3A_586, %mul3A_593 : vector<16xf32>
        %broadcast_in_dim3A_595 = arith.constant 60 : i32
        %broadcast_in_dim3A_596 = vector.broadcast %broadcast_in_dim3A_595 : i32 to vector<16xi32>
        %gather3A_597 = tpu.vector_load_idx %arg8[%add3A_105, %broadcast_in_dim3A_596] : memref<512x64xf32, #tpu.memory_space<vmem>>[vector<16xi32>, vector<16xi32>], vector<16xf32>,
        %slice3A_598 = vector.extract_strided_slice %get3A_498 {offsets = [12], sizes = [1], strides = [1]} : vector<16xf32> to vector<1xf32>
        %squeeze3A_599 = vector.extract %slice3A_598[0] : f32 from vector<1xf32>
        %mul3A_600 = vector.broadcast %squeeze3A_599 : f32 to vector<16xf32>
        %mul3A_601 = arith.mulf %gather3A_597, %mul3A_600 : vector<16xf32>
        %add3A_602 = arith.addf %add3A_594, %mul3A_601 : vector<16xf32>
        %broadcast_in_dim3A_603 = arith.constant 61 : i32
        %broadcast_in_dim3A_604 = vector.broadcast %broadcast_in_dim3A_603 : i32 to vector<16xi32>
        %gather3A_605 = tpu.vector_load_idx %arg8[%add3A_105, %broadcast_in_dim3A_604] : memref<512x64xf32, #tpu.memory_space<vmem>>[vector<16xi32>, vector<16xi32>], vector<16xf32>,
        %slice3A_606 = vector.extract_strided_slice %get3A_498 {offsets = [13], sizes = [1], strides = [1]} : vector<16xf32> to vector<1xf32>
        %squeeze3A_607 = vector.extract %slice3A_606[0] : f32 from vector<1xf32>
        %mul3A_608 = vector.broadcast %squeeze3A_607 : f32 to vector<16xf32>
        %mul3A_609 = arith.mulf %gather3A_605, %mul3A_608 : vector<16xf32>
        %add3A_610 = arith.addf %add3A_602, %mul3A_609 : vector<16xf32>
        %broadcast_in_dim3A_611 = arith.constant 62 : i32
        %broadcast_in_dim3A_612 = vector.broadcast %broadcast_in_dim3A_611 : i32 to vector<16xi32>
        %gather3A_613 = tpu.vector_load_idx %arg8[%add3A_105, %broadcast_in_dim3A_612] : memref<512x64xf32, #tpu.memory_space<vmem>>[vector<16xi32>, vector<16xi32>], vector<16xf32>,
        %slice3A_614 = vector.extract_strided_slice %get3A_498 {offsets = [14], sizes = [1], strides = [1]} : vector<16xf32> to vector<1xf32>
        %squeeze3A_615 = vector.extract %slice3A_614[0] : f32 from vector<1xf32>
        %mul3A_616 = vector.broadcast %squeeze3A_615 : f32 to vector<16xf32>
        %mul3A_617 = arith.mulf %gather3A_613, %mul3A_616 : vector<16xf32>
        %add3A_618 = arith.addf %add3A_610, %mul3A_617 : vector<16xf32>
        %broadcast_in_dim3A_619 = arith.constant 63 : i32
        %broadcast_in_dim3A_620 = vector.broadcast %broadcast_in_dim3A_619 : i32 to vector<16xi32>
        %gather3A_621 = tpu.vector_load_idx %arg8[%add3A_105, %broadcast_in_dim3A_620] : memref<512x64xf32, #tpu.memory_space<vmem>>[vector<16xi32>, vector<16xi32>], vector<16xf32>,
        %slice3A_622 = vector.extract_strided_slice %get3A_498 {offsets = [15], sizes = [1], strides = [1]} : vector<16xf32> to vector<1xf32>
        %squeeze3A_623 = vector.extract %slice3A_622[0] : f32 from vector<1xf32>
        %mul3A_624 = vector.broadcast %squeeze3A_623 : f32 to vector<16xf32>
        %mul3A_625 = arith.mulf %gather3A_621, %mul3A_624 : vector<16xf32>
        %add3A_626 = arith.addf %add3A_618, %mul3A_625 : vector<16xf32>
        %get3A_627 = arith.index_cast %scan3A_101 : i32 to index
        %get3A_628 = arith.constant 0 : index
        %get3A_629 = tpu.vector_load %arg10[%get3A_627, %get3A_628] {strides = array<i32>} : memref<32x16xf32, #tpu.memory_space<vmem>>, vector<16xf32>,
        %add3A_630 = arith.addf %add3A_626, %get3A_629 : vector<16xf32>
        %neg3A = arith.constant 0.000000e+00 : f32
        %neg3A_631 = vector.broadcast %neg3A : f32 to vector<16xf32>
        %neg3A_632 = arith.subf %neg3A_631, %add3A_630 : vector<16xf32>
        %exp3A = math.exp %neg3A_632 : vector<16xf32>
        %add3A_633 = arith.constant 1.000000e+00 : f32
        %add3A_634 = vector.broadcast %add3A_633 : f32 to vector<16xf32>
        %add3A_635 = arith.addf %add3A_634, %exp3A : vector<16xf32>
        %div3A = arith.constant 1.000000e+00 : f32
        %div3A_636 = vector.broadcast %div3A : f32 to vector<16xf32>
        %div3A_637 = arith.divf %div3A_636, %add3A_635 : vector<16xf32>
        %swap3A = arith.index_cast %scan3A_101 : i32 to index
        %swap3A_638 = arith.constant 0 : index
        %swap3A_639 = tpu.vector_load %arg11[%swap3A, %swap3A_638] {strides = array<i32>} : memref<32x16xf32, #tpu.memory_space<vmem>>, vector<16xf32>,
        tpu.vector_store %arg11[%swap3A, %swap3A_638], %div3A_637 {strides = array<i32>} : memref<32x16xf32, #tpu.memory_space<vmem>>, vector<16xf32>,
      }
      %scan3A_100 = arith.constant 32 : i32
      "tpu.region"() ({
        %run_scoped3A = tpu.sem_alloc : memref<!tpu.dma_semaphore, #tpu.memory_space<semaphore_mem>>
        %dma_start3A_101 = arith.constant 0 : i32
        %dma_start3A_102 = tpu.memref_slice %arg6[%add3A_11, %dma_start3A_101] : memref<50176x16xf32, #tpu.memory_space<hbm>> -> memref<32x16xf32, #tpu.memory_space<hbm>>
        %dma_start3A_103 = arith.constant 0 : i32
        %dma_start3A_104 = tpu.memref_slice %arg6[%add3A_11, %dma_start3A_103] : memref<50176x16xf32, #tpu.memory_space<hbm>> -> memref<32x16xf32, #tpu.memory_space<hbm>>
        tpu.enqueue_dma source(%arg11 : memref<32x16xf32, #tpu.memory_space<vmem>>) target(%dma_start3A_104 : memref<32x16xf32, #tpu.memory_space<hbm>>) target_semaphore(%run_scoped3A : memref<!tpu.dma_semaphore, #tpu.memory_space<semaphore_mem>>)
        %dma_wait3A_105 = arith.constant 0 : i32
        %dma_wait3A_106 = tpu.memref_slice %arg6[%add3A_11, %dma_wait3A_105] : memref<50176x16xf32, #tpu.memory_space<hbm>> -> memref<32x16xf32, #tpu.memory_space<hbm>>
        %dma_wait3A_107 = arith.constant 0 : i32
        %dma_wait3A_108 = tpu.memref_slice %arg6[%add3A_11, %dma_wait3A_107] : memref<50176x16xf32, #tpu.memory_space<hbm>> -> memref<32x16xf32, #tpu.memory_space<hbm>>
        tpu.wait_dma2 semaphore(%run_scoped3A : memref<!tpu.dma_semaphore, #tpu.memory_space<semaphore_mem>>) src(%arg11 : memref<32x16xf32, #tpu.memory_space<vmem>>) dst(%dma_wait3A_108 : memref<32x16xf32, #tpu.memory_space<hbm>>)
        tpu.yield
      }) : () -> ()
    }
    %scan3A_5 = arith.constant 49 : i32
    return
  }
}

module attributes {stable_mosaic.version = 14 : i64} {
  func.func @_dense_body(%arg0: i32, %arg1: memref<400x128xf32, #tpu.memory_space<vmem>>, %arg2: memref<400x128xf32, #tpu.memory_space<vmem>>, %arg3: memref<1x128xf32, #tpu.memory_space<vmem>>, %arg4: memref<256x256xf32, #tpu.memory_space<vmem>>, %arg5: memref<1x256xf32, #tpu.memory_space<vmem>>, %arg6: memref<256x128xf32, #tpu.memory_space<vmem>>, %arg7: memref<1x128xf32, #tpu.memory_space<vmem>>, %arg8: memref<256x128xf32, #tpu.memory_space<vmem>>, %arg9: memref<1x128xf32, #tpu.memory_space<vmem>>, %arg10: memref<128x64xf32, #tpu.memory_space<vmem>>, %arg11: memref<1x64xf32, #tpu.memory_space<vmem>>, %arg12: memref<128x128xf32, #tpu.memory_space<vmem>>, %arg13: memref<1x128xf32, #tpu.memory_space<vmem>>, %arg14: memref<128x64xf32, #tpu.memory_space<vmem>>, %arg15: memref<1x64xf32, #tpu.memory_space<vmem>>, %arg16: memref<400x128xf32, #tpu.memory_space<vmem>>, %arg17: memref<400x64xf32, #tpu.memory_space<vmem>>, %arg18: memref<400x64xf32, #tpu.memory_space<vmem>>) attributes {dimension_semantics = [#tpu.dimension_semantics<arbitrary>], iteration_bounds = array<i64: 125>, scalar_prefetch = 0 : i64, scratch_operands = 0 : i64, tpu.core_type = #tpu.core_type<tc>, window_params = [{transform_indices = @transform_0, window_bounds = array<i64: 400, 128>}, {transform_indices = @transform_1, window_bounds = array<i64: 400, 128>}, {pipeline_mode = #tpu.pipeline_mode<synchronous>, transform_indices = @transform_2, window_bounds = array<i64: 1, 128>}, {pipeline_mode = #tpu.pipeline_mode<synchronous>, transform_indices = @transform_3, window_bounds = array<i64: 256, 256>}, {pipeline_mode = #tpu.pipeline_mode<synchronous>, transform_indices = @transform_4, window_bounds = array<i64: 1, 256>}, {pipeline_mode = #tpu.pipeline_mode<synchronous>, transform_indices = @transform_5, window_bounds = array<i64: 256, 128>}, {pipeline_mode = #tpu.pipeline_mode<synchronous>, transform_indices = @transform_6, window_bounds = array<i64: 1, 128>}, {pipeline_mode = #tpu.pipeline_mode<synchronous>, transform_indices = @transform_7, window_bounds = array<i64: 256, 128>}, {pipeline_mode = #tpu.pipeline_mode<synchronous>, transform_indices = @transform_8, window_bounds = array<i64: 1, 128>}, {pipeline_mode = #tpu.pipeline_mode<synchronous>, transform_indices = @transform_9, window_bounds = array<i64: 128, 64>}, {pipeline_mode = #tpu.pipeline_mode<synchronous>, transform_indices = @transform_10, window_bounds = array<i64: 1, 64>}, {pipeline_mode = #tpu.pipeline_mode<synchronous>, transform_indices = @transform_11, window_bounds = array<i64: 128, 128>}, {pipeline_mode = #tpu.pipeline_mode<synchronous>, transform_indices = @transform_12, window_bounds = array<i64: 1, 128>}, {pipeline_mode = #tpu.pipeline_mode<synchronous>, transform_indices = @transform_13, window_bounds = array<i64: 128, 64>}, {pipeline_mode = #tpu.pipeline_mode<synchronous>, transform_indices = @transform_14, window_bounds = array<i64: 1, 64>}, {transform_indices = @transform_15, window_bounds = array<i64: 400, 128>}, {transform_indices = @transform_16, window_bounds = array<i64: 400, 64>}, {transform_indices = @transform_17, window_bounds = array<i64: 400, 64>}]} {
    %get3A = arith.constant 0 : index
    %get3A_0 = arith.constant 0 : index
    %get3A_1 = vector.load %arg1[%get3A, %get3A_0] : memref<400x128xf32, #tpu.memory_space<vmem>>, vector<400x128xf32>
    %get3A_2 = arith.constant 0 : index
    %get3A_3 = arith.constant 0 : index
    %get3A_4 = vector.load %arg2[%get3A_2, %get3A_3] : memref<400x128xf32, #tpu.memory_space<vmem>>, vector<400x128xf32>
    %mul3A = arith.mulf %get3A_1, %get3A_1 : vector<400x128xf32>
    %reduce_sum3A = arith.constant dense<0.000000e+00> : vector<400xf32>
    %reduce_sum3A_5 = vector.multi_reduction <add>, %mul3A, %reduce_sum3A [1] : vector<400x128xf32> to vector<400xf32>
    %broadcast_in_dim3A = vector.shape_cast %reduce_sum3A_5 : vector<400xf32> to vector<400x1xf32>
    %div3A = arith.constant 1.280000e+02 : f32
    %div3A_6 = vector.broadcast %div3A : f32 to vector<400x1xf32>
    %div3A_7 = arith.divf %broadcast_in_dim3A, %div3A_6 : vector<400x1xf32>
    %add3A = arith.constant 9.99999997E-7 : f32
    %add3A_8 = vector.broadcast %add3A : f32 to vector<400x1xf32>
    %add3A_9 = arith.addf %div3A_7, %add3A_8 : vector<400x1xf32>
    %rsqrt3A = math.rsqrt %add3A_9 : vector<400x1xf32>
    %mul3A_10 = vector.broadcast %rsqrt3A : vector<400x1xf32> to vector<400x128xf32>
    %mul3A_11 = arith.mulf %get3A_1, %mul3A_10 : vector<400x128xf32>
    %get3A_12 = arith.constant 0 : index
    %get3A_13 = arith.constant 0 : index
    %get3A_14 = vector.load %arg3[%get3A_12, %get3A_13] : memref<1x128xf32, #tpu.memory_space<vmem>>, vector<1x128xf32>
    %mul3A_15 = vector.broadcast %get3A_14 : vector<1x128xf32> to vector<400x128xf32>
    %mul3A_16 = arith.mulf %mul3A_11, %mul3A_15 : vector<400x128xf32>
    %concatenate3A = tpu.concatenate %mul3A_16, %get3A_4 in 1 : vector<400x128xf32>, vector<400x128xf32> -> vector<400x256xf32>
    %get3A_17 = arith.constant 0 : index
    %get3A_18 = arith.constant 0 : index
    %get3A_19 = vector.load %arg4[%get3A_17, %get3A_18] : memref<256x256xf32, #tpu.memory_space<vmem>>, vector<256x256xf32>
    %dot_general3A = arith.constant dense<0.000000e+00> : vector<400x256xf32>
    %dot_general3A_20 = tpu.matmul %concatenate3A, %get3A_19, %dot_general3A {dimension_numbers = #tpu.dot_dimension_numbers<[1], [0], [0], [1], [0, 0, 1, 1], [], []>, transpose_lhs_hint = false} : vector<400x256xf32>, vector<256x256xf32>, vector<400x256xf32> -> vector<400x256xf32>
    %get3A_21 = arith.constant 0 : index
    %get3A_22 = arith.constant 0 : index
    %get3A_23 = vector.load %arg5[%get3A_21, %get3A_22] : memref<1x256xf32, #tpu.memory_space<vmem>>, vector<1x256xf32>
    %add3A_24 = vector.broadcast %get3A_23 : vector<1x256xf32> to vector<400x256xf32>
    %add3A_25 = arith.addf %dot_general3A_20, %add3A_24 : vector<400x256xf32>
    %mul3A_26 = arith.constant 5.000000e-01 : f32
    %mul3A_27 = vector.broadcast %mul3A_26 : f32 to vector<400x256xf32>
    %mul3A_28 = arith.mulf %mul3A_27, %add3A_25 : vector<400x256xf32>
    %mul3A_29 = arith.constant 0.707106769 : f32
    %mul3A_30 = vector.broadcast %mul3A_29 : f32 to vector<400x256xf32>
    %mul3A_31 = arith.mulf %add3A_25, %mul3A_30 : vector<400x256xf32>
    %erf3A = math.erf %mul3A_31 : vector<400x256xf32>
    %add3A_32 = arith.constant 1.000000e+00 : f32
    %add3A_33 = vector.broadcast %add3A_32 : f32 to vector<400x256xf32>
    %add3A_34 = arith.addf %add3A_33, %erf3A : vector<400x256xf32>
    %mul3A_35 = arith.mulf %mul3A_28, %add3A_34 : vector<400x256xf32>
    %get3A_36 = arith.constant 0 : index
    %get3A_37 = arith.constant 0 : index
    %get3A_38 = vector.load %arg6[%get3A_36, %get3A_37] : memref<256x128xf32, #tpu.memory_space<vmem>>, vector<256x128xf32>
    %dot_general3A_39 = arith.constant dense<0.000000e+00> : vector<400x128xf32>
    %dot_general3A_40 = tpu.matmul %mul3A_35, %get3A_38, %dot_general3A_39 {dimension_numbers = #tpu.dot_dimension_numbers<[1], [0], [0], [1], [0, 0, 1, 1], [], []>, transpose_lhs_hint = false} : vector<400x256xf32>, vector<256x128xf32>, vector<400x128xf32> -> vector<400x128xf32>
    %get3A_41 = arith.constant 0 : index
    %get3A_42 = arith.constant 0 : index
    %get3A_43 = vector.load %arg7[%get3A_41, %get3A_42] : memref<1x128xf32, #tpu.memory_space<vmem>>, vector<1x128xf32>
    %add3A_44 = vector.broadcast %get3A_43 : vector<1x128xf32> to vector<400x128xf32>
    %add3A_45 = arith.addf %dot_general3A_40, %add3A_44 : vector<400x128xf32>
    %swap3A = arith.constant 0 : index
    %swap3A_46 = arith.constant 0 : index
    %swap3A_47 = vector.load %arg16[%swap3A, %swap3A_46] : memref<400x128xf32, #tpu.memory_space<vmem>>, vector<400x128xf32>
    tpu.vector_store %arg16[%swap3A, %swap3A_46], %add3A_45 {strides = array<i32>} : memref<400x128xf32, #tpu.memory_space<vmem>>, vector<400x128xf32>,
    %get3A_48 = arith.constant 0 : index
    %get3A_49 = arith.constant 0 : index
    %get3A_50 = vector.load %arg8[%get3A_48, %get3A_49] : memref<256x128xf32, #tpu.memory_space<vmem>>, vector<256x128xf32>
    %dot_general3A_51 = arith.constant dense<0.000000e+00> : vector<400x128xf32>
    %dot_general3A_52 = tpu.matmul %concatenate3A, %get3A_50, %dot_general3A_51 {dimension_numbers = #tpu.dot_dimension_numbers<[1], [0], [0], [1], [0, 0, 1, 1], [], []>, transpose_lhs_hint = false} : vector<400x256xf32>, vector<256x128xf32>, vector<400x128xf32> -> vector<400x128xf32>
    %get3A_53 = arith.constant 0 : index
    %get3A_54 = arith.constant 0 : index
    %get3A_55 = vector.load %arg9[%get3A_53, %get3A_54] : memref<1x128xf32, #tpu.memory_space<vmem>>, vector<1x128xf32>
    %add3A_56 = vector.broadcast %get3A_55 : vector<1x128xf32> to vector<400x128xf32>
    %add3A_57 = arith.addf %dot_general3A_52, %add3A_56 : vector<400x128xf32>
    %mul3A_58 = arith.constant 5.000000e-01 : f32
    %mul3A_59 = vector.broadcast %mul3A_58 : f32 to vector<400x128xf32>
    %mul3A_60 = arith.mulf %mul3A_59, %add3A_57 : vector<400x128xf32>
    %mul3A_61 = arith.constant 0.707106769 : f32
    %mul3A_62 = vector.broadcast %mul3A_61 : f32 to vector<400x128xf32>
    %mul3A_63 = arith.mulf %add3A_57, %mul3A_62 : vector<400x128xf32>
    %erf3A_64 = math.erf %mul3A_63 : vector<400x128xf32>
    %add3A_65 = arith.constant 1.000000e+00 : f32
    %add3A_66 = vector.broadcast %add3A_65 : f32 to vector<400x128xf32>
    %add3A_67 = arith.addf %add3A_66, %erf3A_64 : vector<400x128xf32>
    %mul3A_68 = arith.mulf %mul3A_60, %add3A_67 : vector<400x128xf32>
    %get3A_69 = arith.constant 0 : index
    %get3A_70 = arith.constant 0 : index
    %get3A_71 = vector.load %arg10[%get3A_69, %get3A_70] : memref<128x64xf32, #tpu.memory_space<vmem>>, vector<128x64xf32>
    %dot_general3A_72 = arith.constant dense<0.000000e+00> : vector<400x64xf32>
    %dot_general3A_73 = tpu.matmul %mul3A_68, %get3A_71, %dot_general3A_72 {dimension_numbers = #tpu.dot_dimension_numbers<[1], [0], [0], [1], [0, 0, 1, 1], [], []>, transpose_lhs_hint = false} : vector<400x128xf32>, vector<128x64xf32>, vector<400x64xf32> -> vector<400x64xf32>
    %get3A_74 = arith.constant 0 : index
    %get3A_75 = arith.constant 0 : index
    %get3A_76 = vector.load %arg11[%get3A_74, %get3A_75] : memref<1x64xf32, #tpu.memory_space<vmem>>, vector<1x64xf32>
    %add3A_77 = vector.broadcast %get3A_76 : vector<1x64xf32> to vector<400x64xf32>
    %add3A_78 = arith.addf %dot_general3A_73, %add3A_77 : vector<400x64xf32>
    %swap3A_79 = arith.constant 0 : index
    %swap3A_80 = arith.constant 0 : index
    %swap3A_81 = vector.load %arg17[%swap3A_79, %swap3A_80] : memref<400x64xf32, #tpu.memory_space<vmem>>, vector<400x64xf32>
    tpu.vector_store %arg17[%swap3A_79, %swap3A_80], %add3A_78 {strides = array<i32>} : memref<400x64xf32, #tpu.memory_space<vmem>>, vector<400x64xf32>,
    %get3A_82 = arith.constant 0 : index
    %get3A_83 = arith.constant 0 : index
    %get3A_84 = vector.load %arg12[%get3A_82, %get3A_83] : memref<128x128xf32, #tpu.memory_space<vmem>>, vector<128x128xf32>
    %dot_general3A_85 = arith.constant dense<0.000000e+00> : vector<400x128xf32>
    %dot_general3A_86 = tpu.matmul %get3A_4, %get3A_84, %dot_general3A_85 {dimension_numbers = #tpu.dot_dimension_numbers<[1], [0], [0], [1], [0, 0, 1, 1], [], []>, transpose_lhs_hint = false} : vector<400x128xf32>, vector<128x128xf32>, vector<400x128xf32> -> vector<400x128xf32>
    %get3A_87 = arith.constant 0 : index
    %get3A_88 = arith.constant 0 : index
    %get3A_89 = vector.load %arg13[%get3A_87, %get3A_88] : memref<1x128xf32, #tpu.memory_space<vmem>>, vector<1x128xf32>
    %add3A_90 = vector.broadcast %get3A_89 : vector<1x128xf32> to vector<400x128xf32>
    %add3A_91 = arith.addf %dot_general3A_86, %add3A_90 : vector<400x128xf32>
    %mul3A_92 = arith.constant 5.000000e-01 : f32
    %mul3A_93 = vector.broadcast %mul3A_92 : f32 to vector<400x128xf32>
    %mul3A_94 = arith.mulf %mul3A_93, %add3A_91 : vector<400x128xf32>
    %mul3A_95 = arith.constant 0.707106769 : f32
    %mul3A_96 = vector.broadcast %mul3A_95 : f32 to vector<400x128xf32>
    %mul3A_97 = arith.mulf %add3A_91, %mul3A_96 : vector<400x128xf32>
    %erf3A_98 = math.erf %mul3A_97 : vector<400x128xf32>
    %add3A_99 = arith.constant 1.000000e+00 : f32
    %add3A_100 = vector.broadcast %add3A_99 : f32 to vector<400x128xf32>
    %add3A_101 = arith.addf %add3A_100, %erf3A_98 : vector<400x128xf32>
    %mul3A_102 = arith.mulf %mul3A_94, %add3A_101 : vector<400x128xf32>
    %get3A_103 = arith.constant 0 : index
    %get3A_104 = arith.constant 0 : index
    %get3A_105 = vector.load %arg14[%get3A_103, %get3A_104] : memref<128x64xf32, #tpu.memory_space<vmem>>, vector<128x64xf32>
    %dot_general3A_106 = arith.constant dense<0.000000e+00> : vector<400x64xf32>
    %dot_general3A_107 = tpu.matmul %mul3A_102, %get3A_105, %dot_general3A_106 {dimension_numbers = #tpu.dot_dimension_numbers<[1], [0], [0], [1], [0, 0, 1, 1], [], []>, transpose_lhs_hint = false} : vector<400x128xf32>, vector<128x64xf32>, vector<400x64xf32> -> vector<400x64xf32>
    %get3A_108 = arith.constant 0 : index
    %get3A_109 = arith.constant 0 : index
    %get3A_110 = vector.load %arg15[%get3A_108, %get3A_109] : memref<1x64xf32, #tpu.memory_space<vmem>>, vector<1x64xf32>
    %add3A_111 = vector.broadcast %get3A_110 : vector<1x64xf32> to vector<400x64xf32>
    %add3A_112 = arith.addf %dot_general3A_107, %add3A_111 : vector<400x64xf32>
    %swap3A_113 = arith.constant 0 : index
    %swap3A_114 = arith.constant 0 : index
    %swap3A_115 = vector.load %arg18[%swap3A_113, %swap3A_114] : memref<400x64xf32, #tpu.memory_space<vmem>>, vector<400x64xf32>
    tpu.vector_store %arg18[%swap3A_113, %swap3A_114], %add3A_112 {strides = array<i32>} : memref<400x64xf32, #tpu.memory_space<vmem>>, vector<400x64xf32>,
    return
  }
  func.func @transform_0(%arg0: i32) -> (i32, i32) {
    %c0_i32 = arith.constant 0 : i32
    %c0_i32_0 = arith.constant 0 : i32
    return %arg0, %c0_i32 : i32, i32
  }
  func.func @transform_1(%arg0: i32) -> (i32, i32) {
    %c0_i32 = arith.constant 0 : i32
    %c0_i32_0 = arith.constant 0 : i32
    return %arg0, %c0_i32 : i32, i32
  }
  func.func @transform_2(%arg0: i32) -> (i32, i32) {
    %c0_i32 = arith.constant 0 : i32
    %c0_i32_0 = arith.constant 0 : i32
    %c0_i32_1 = arith.constant 0 : i32
    return %c0_i32, %c0_i32_0 : i32, i32
  }
  func.func @transform_3(%arg0: i32) -> (i32, i32) {
    %c0_i32 = arith.constant 0 : i32
    %c0_i32_0 = arith.constant 0 : i32
    %c0_i32_1 = arith.constant 0 : i32
    return %c0_i32, %c0_i32_0 : i32, i32
  }
  func.func @transform_4(%arg0: i32) -> (i32, i32) {
    %c0_i32 = arith.constant 0 : i32
    %c0_i32_0 = arith.constant 0 : i32
    %c0_i32_1 = arith.constant 0 : i32
    return %c0_i32, %c0_i32_0 : i32, i32
  }
  func.func @transform_5(%arg0: i32) -> (i32, i32) {
    %c0_i32 = arith.constant 0 : i32
    %c0_i32_0 = arith.constant 0 : i32
    %c0_i32_1 = arith.constant 0 : i32
    return %c0_i32, %c0_i32_0 : i32, i32
  }
  func.func @transform_6(%arg0: i32) -> (i32, i32) {
    %c0_i32 = arith.constant 0 : i32
    %c0_i32_0 = arith.constant 0 : i32
    %c0_i32_1 = arith.constant 0 : i32
    return %c0_i32, %c0_i32_0 : i32, i32
  }
  func.func @transform_7(%arg0: i32) -> (i32, i32) {
    %c0_i32 = arith.constant 0 : i32
    %c0_i32_0 = arith.constant 0 : i32
    %c0_i32_1 = arith.constant 0 : i32
    return %c0_i32, %c0_i32_0 : i32, i32
  }
  func.func @transform_8(%arg0: i32) -> (i32, i32) {
    %c0_i32 = arith.constant 0 : i32
    %c0_i32_0 = arith.constant 0 : i32
    %c0_i32_1 = arith.constant 0 : i32
    return %c0_i32, %c0_i32_0 : i32, i32
  }
  func.func @transform_9(%arg0: i32) -> (i32, i32) {
    %c0_i32 = arith.constant 0 : i32
    %c0_i32_0 = arith.constant 0 : i32
    %c0_i32_1 = arith.constant 0 : i32
    return %c0_i32, %c0_i32_0 : i32, i32
  }
  func.func @transform_10(%arg0: i32) -> (i32, i32) {
    %c0_i32 = arith.constant 0 : i32
    %c0_i32_0 = arith.constant 0 : i32
    %c0_i32_1 = arith.constant 0 : i32
    return %c0_i32, %c0_i32_0 : i32, i32
  }
  func.func @transform_11(%arg0: i32) -> (i32, i32) {
    %c0_i32 = arith.constant 0 : i32
    %c0_i32_0 = arith.constant 0 : i32
    %c0_i32_1 = arith.constant 0 : i32
    return %c0_i32, %c0_i32_0 : i32, i32
  }
  func.func @transform_12(%arg0: i32) -> (i32, i32) {
    %c0_i32 = arith.constant 0 : i32
    %c0_i32_0 = arith.constant 0 : i32
    %c0_i32_1 = arith.constant 0 : i32
    return %c0_i32, %c0_i32_0 : i32, i32
  }
  func.func @transform_13(%arg0: i32) -> (i32, i32) {
    %c0_i32 = arith.constant 0 : i32
    %c0_i32_0 = arith.constant 0 : i32
    %c0_i32_1 = arith.constant 0 : i32
    return %c0_i32, %c0_i32_0 : i32, i32
  }
  func.func @transform_14(%arg0: i32) -> (i32, i32) {
    %c0_i32 = arith.constant 0 : i32
    %c0_i32_0 = arith.constant 0 : i32
    %c0_i32_1 = arith.constant 0 : i32
    return %c0_i32, %c0_i32_0 : i32, i32
  }
  func.func @transform_15(%arg0: i32) -> (i32, i32) {
    %c0_i32 = arith.constant 0 : i32
    %c0_i32_0 = arith.constant 0 : i32
    return %arg0, %c0_i32 : i32, i32
  }
  func.func @transform_16(%arg0: i32) -> (i32, i32) {
    %c0_i32 = arith.constant 0 : i32
    %c0_i32_0 = arith.constant 0 : i32
    return %arg0, %c0_i32 : i32, i32
  }
  func.func @transform_17(%arg0: i32) -> (i32, i32) {
    %c0_i32 = arith.constant 0 : i32
    %c0_i32_0 = arith.constant 0 : i32
    return %arg0, %c0_i32 : i32, i32
  }
}

</mosaic_0001>

<sc_bundles>
// kernel: kernel.4.cloned.1.call-start
scs
__scs_entry_jumppad:
0x0: {  	(pc) =	sbr.rel $0x88, $3  }
0x1: {  	(tag) =	ssettag $0x0;
	lr =	simm.s32 $0x1  }
0x2: {  	[smem:$0x3F90] =	sst lr;
	_ =	strace $0xD0000000  }
0x3: {  	_ = 	snop  }
0x4: {  	_ = 	snop  }
0x5: {  	_ = 	snop  }
0x6: {  	_ = 	snop  }
0x7: {  	_ = 	snop  }
__scs_overlays_trampoline_lowered:
0x8: {  	[smem:$0x3F9F] =	sst s0  }
0x9: {  	[smem:$0x3FA0] =	sst s1  }
0xa: {  	[smem:$0x3FA1] =	sst s2  }
0xb: {  	[smem:$0x3FA2] =	sst s3  }
0xc: {  	[smem:$0x3FA3] =	sst s4  }
0xd: {  	[smem:$0x3FA4] =	sst s5  }
0xe: {  	[smem:$0x3FA5] =	sst s6  }
0xf: {  	[smem:$0x3FA6] =	sst s7  }
0x10: {  	[smem:$0x3FA7] =	sst s8  }
0x11: {  	[smem:$0x3FA8] =	sst s9;
	s0 =	simm.s32 @!p0 $0x0  }
0x12: {  	s1 =	sld [smem:$0x3F8E];
	s0 =	simm.s32 @p0 $0x1  }
0x13: {  	[smem:$0x3FA9] =	sst s0;
	s0 =	simm.s32 @!p1 $0x0  }
0x14: {  	s2 =	sld [smem:$0x3F8D];
	s0 =	simm.s32 @p1 $0x1  }
0x15: {  	[smem:$0x3FAA] =	sst s0;
	s0 =	simm.s32 @!p2 $0x0  }
0x16: {  	s3 =	sld [smem:$0x3FDB];
	s0 =	simm.s32 @p2 $0x1  }
0x17: {  	s4 =	simm.s32 $0x1BF5;
	[smem:$0x3FAC] =	sst s0  }
0x18: {  	s0 =	sld [smem:$0x3F8F];
	_ =	swait.ge [sflag:s4], $0x0  }
0x19: {  	s7 =	sld [smem:$0x3F90]  }
0x1a: {  	s8 =	sadd.s32 $0xFFFFE003, lr  }
0x1b: {  	s9 =	sadd.s32 $0xFFFFFEF7, lr;
	s5 =	simm.s32 $0xFFFFFFFF;
	p2 =	slt.u32 s8, $0xFFFFF086  }
0x1c: {  	p1 =	slt.u32 s9, $0xF7A;
	s5 =	simm.s32 @!p2 $0x0  }
0x1d: {  	s5 =	simm.s32 @p1 $0x1;
	p0 =	seq.s32 s7, s2  }
0x1e: {  	s7 =	smul.u32 @!p0 $0xF7A, s2;
	p2 =	seq.s32 @!p0 s5, $0x0  }
0x1f: {  	s9 =	smul.u32 $0xF7A, s1;
	s8 =	simm.s32 @!p0 $0x1BF5;
	p2 =	por !p2, p0  }
0x20: {  	[sflag:s8] =	ssyncset.s32 @!p0 $0xFFFFF086;
	s6 =	sadd.s32 @!p0 s3, s7;
	s7 =	simm.s32 @!p0 $0x108  }
0x21: {  	s3 =	sadd.s32 s3, s9;
	s6 =	sadd.s32 @!p0 $0x88, s6;
	s7 =	simm.s32 @p2 $0x1082  }
0x22: {  	[simem:s7], [sflag:s8] =	dma.local @!p0 [hbm:s6], $0xF7A  }
0x23: {  	s9 =	sor.u32 $0xD0000000, s2;
	s6 =	simm.s32 $0x108;
	_ =	swait.ge @!p0 [sflag:s8], $0x0  }
0x24: {  	s3 =	sadd.s32 $0x88, s3;
	s6 =	simm.s32 @!p1 $0x1082;
	[sflag:s4] =	ssyncset.s32 $0xFFFFF086  }
0x25: {  	[simem:s6], [sflag:s4] =	dma.local [hbm:s3], $0xF7A  }
0x26: {  	[smem:$0x3F90] =	sst s1;
	(tag) =	ssettag s2;
	_ =	strace s9  }
0x27: {  	s1 =	sld [smem:$0x3FA0]  }
0x28: {  	s2 =	sld [smem:$0x3FA1]  }
0x29: {  	s4 =	sld [smem:$0x3FA3]  }
0x2a: {  	p0 =	seq.s32 s5, $0x0;
	s5 =	sld [smem:$0x3FA4]  }
0x2b: {  	s6 =	sld [smem:$0x3FA5]  }
0x2c: {  	s7 =	sld [smem:$0x3FA6]  }
0x2d: {  	s3 =	simm.s32 $0x108;
	s8 =	sld [smem:$0x3FA7]  }
0x2e: {  	s3 =	simm.s32 @!p0 $0x1082;
	s9 =	sld [smem:$0x3FA8]  }
0x2f: {  	lr =	sadd.s32 s0, s3;
	s0 =	sld [smem:$0x3F9F]  }
0x30: {  	s3 =	sld [smem:$0x3FA2]  }
0x31: {  	[smem:$0x3FAB] =	sst s10  }
0x32: {  	s10 =	sld [smem:$0x3FA9];
	_ =	sdelay $0x3  }
0x33: {  	p0 =	seq.s32 s10, $0x1;
	s10 =	sld [smem:$0x3FAB];
	_ =	sdelay $0x3  }
0x34: {  	[smem:$0x3FAB] =	sst s10  }
0x35: {  	s10 =	sld [smem:$0x3FAA];
	_ =	sdelay $0x3  }
0x36: {  	p1 =	seq.s32 s10, $0x1;
	s10 =	sld [smem:$0x3FAB];
	_ =	sdelay $0x3  }
0x37: {  	[smem:$0x3FAB] =	sst s10  }
0x38: {  	s10 =	sld [smem:$0x3FAC]  }
0x39: {  	_ = 	snop;
	(pc) =	sbr.ind lr, $3  }
0x3a: {  	_ = 	snop  }
0x3b: {  	_ = 	snop  }
0x3c: {  	p2 =	seq.s32 s10, $0x1;
	s10 =	sld [smem:$0x3FAB]  }
0x3d: {  	_ =	shalt  }
0x3e: {  	_ =	shalt  }
0x3f: {  	_ =	shalt  }
0x40: {  	_ =	shalt  }
0x41: {  	_ =	shalt  }
0x42: {  	_ =	shalt  }
0x43: {  	_ =	shalt  }
0x44: {  	_ =	shalt  }
0x45: {  	_ =	shalt  }
0x46: {  	_ =	shalt  }
0x47: {  	_ =	shalt  }
0x48: {  	_ =	shalt  }
0x49: {  	_ =	shalt  }
0x4a: {  	_ =	shalt  }
0x4b: {  	_ =	shalt  }
0x4c: {  	_ =	shalt  }
0x4d: {  	_ =	shalt  }
0x4e: {  	_ =	shalt  }
0x4f: {  	_ =	shalt  }
0x50: {  	_ =	shalt  }
0x51: {  	_ =	shalt  }
0x52: {  	_ =	shalt  }
0x53: {  	_ =	shalt  }
0x54: {  	_ =	shalt  }
0x55: {  	_ =	shalt  }
0x56: {  	_ =	shalt  }
0x57: {  	_ =	shalt  }
0x58: {  	_ =	shalt  }
0x59: {  	_ =	shalt  }
0x5a: {  	_ =	shalt  }
0x5b: {  	_ =	shalt  }
0x5c: {  	_ =	shalt  }
0x5d: {  	_ =	shalt  }
0x5e: {  	_ =	shalt  }
0x5f: {  	_ =	shalt  }
0x60: {  	_ =	shalt  }
0x61: {  	_ =	shalt  }
0x62: {  	_ =	shalt  }
0x63: {  	_ =	shalt  }
0x64: {  	_ =	shalt  }
0x65: {  	_ =	shalt  }
0x66: {  	_ =	shalt  }
0x67: {  	_ =	shalt  }
0x68: {  	_ =	shalt  }
0x69: {  	_ =	shalt  }
0x6a: {  	_ =	shalt  }
0x6b: {  	_ =	shalt  }
0x6c: {  	_ =	shalt  }
0x6d: {  	_ =	shalt  }
0x6e: {  	_ =	shalt  }
0x6f: {  	_ =	shalt  }
0x70: {  	_ =	shalt  }
0x71: {  	_ =	shalt  }
0x72: {  	_ =	shalt  }
0x73: {  	_ =	shalt  }
0x74: {  	_ =	shalt  }
0x75: {  	_ =	shalt  }
0x76: {  	_ =	shalt  }
0x77: {  	_ =	shalt  }
0x78: {  	_ =	shalt  }
0x79: {  	_ =	shalt  }
0x7a: {  	_ =	shalt  }
0x7b: {  	_ =	shalt  }
0x7c: {  	_ =	shalt  }
0x7d: {  	_ =	shalt  }
0x7e: {  	_ =	shalt  }
0x7f: {  	_ =	shalt  }
0x80: {  	_ =	shalt  }
0x81: {  	_ =	shalt  }
0x82: {  	_ =	shalt  }
0x83: {  	_ =	shalt  }
0x84: {  	_ =	shalt  }
0x85: {  	_ =	shalt  }
0x86: {  	_ =	shalt  }
0x87: {  	_ =	shalt  }
.Lfunc_end0:
.L_simem_size_0:
called_computation_lowered:
.L_overlay_start_0:
0x88: {  	s2 =	sld [smem:$0x3FD9]  }
0x89: {  	s3 =	sld [smem:$0x3FFE];
	_ =	sdelay $0x1  }
0x8a: {  	s1 =	srdreg.scid  }
0x8b: {  	s0 =	sand.u32 $0x1, s1  }
0x8c: {  	s16 =	sshll.u32 s0, $0xA;
	s2 =	sadd.s32 s3, s2  }
0x8d: {  	s2 =	sadd.s32 s2, s16  }
0x8e: {  	[smem:$0x3FB7] =	sst s2  }
0x8f: {  	_ = 	snop  }
0x90: {  	(tm) =	ssettm $0x1  }
0x91: {  	s17 =	sld [smem:$0x3FFB];
	_ =	sdelay $0x3  }
0x92: {  	_ =	strace s17  }
0x93: {  	s2 =	sld [smem:$0x3FFC];
	_ =	sdelay $0x3  }
0x94: {  	_ =	strace s2  }
0x95: {  	s2 =	sld [smem:$0x3FFD];
	_ =	sdelay $0x3  }
0x96: {  	_ =	strace s2  }
0x97: {  	_ =	strace $0x8FFFFFFF  }
0x98: {  	s18 =	sld [smem:$0x3FDB];
	_ =	sdelay $0x1  }
0x99: {  	s19 =	simm.s32 $_scs_section_size  }
0x9a: {  	s4 =	simm.s32 $_size__tile_overlayer_lowered;
	s5 =	simm.s32 $_tile_overlayer_lowered  }
0x9b: {  	s22 =	simm.s32 $0x1BFF;
	s21 =	sshll.u32 s5, $0x1;
	s2 =	sadd.s32 s19, s18  }
0x9c: {  	s6 =	simm.s32 $0x0;
	s20 =	sshll.u32 s4, $0x1;
	s4 =	sadd.s32 s21, s2  }
0x9d: {  	[timem:s6], [sflag:s22] =	dma.local [hbm:s4], s20  }
0x9e: {  	_ =	swait.ge [sflag:s22], s20  }
0x9f: {  	s3 =	ssub.s32 $0x0, s20;
	[sflag:s22] =	ssyncset.done $0x0  }
0xa0: {  	[sflag:s22] =	ssyncadd.s32 s3;
	_ =	sdelay $0x1  }
0xa1: {  	s23 =	simm.s32 $0x1B8B  }
0xa2: {  	_ =	swait.ge [sflag:s23], $0x1  }
0xa3: {  	[sflag:s23] =	ssyncset.done $0x0  }
0xa4: {  	s25 =	simm.s32 $0x1B8E;
	s24 =	sld [smem:$0x3FFE];
	[sflag:s23] =	ssyncadd.s32 $0xFFFFFFFF  }
0xa5: {  	s26 =	simm.s32 $execute0_lowered;
	[smem:$0x3FD2] =	sst s25  }
0xa6: {  	s4 =	sshll.u32 s26, $0x1;
	_ =	strace $0x80000046;
	[dreg:$0x1] =	wrdreg $0xFFFFFFFF  }
0xa7: {  	s28 =	simm.s32 $_size_execute0_lowered;
	s2 =	sadd.s32 s2, s4;
	[dreg:$0x0] =	wrdreg $0x0  }
0xa8: {  	s4 =	sshll.u32 s28, $0x1;
	[dreg:$0x2] =	wrdreg s2  }
0xa9: {  	[dreg:$0x3] =	wrdreg s4  }
0xaa: {  	[dreg:$0x4] =	wrdreg $0xC0  }
0xab: {  	_ =	task [dreg:s6], $0x5FFFF  }
0xac: {  	[dreg:$0x1] =	wrdreg $0xFFFFFFFF  }
0xad: {  	[dreg:$0x0] =	wrdreg $0x60  }
0xae: {  	[dreg:$0x2] =	wrdreg s24  }
0xaf: {  	[dreg:$0x3] =	wrdreg $0x9  }
0xb0: {  	_ =	task.clear_ibuf [dreg:s6], $0x4FFFF;
	_ =	strace $0x90000046  }
0xb1: {  	s29 =	simm.s32 $0x9;
	_ =	strace $0x80000048  }
0xb2: {  	_ =	swait.ge [sflag:s29], $0x1  }
0xb3: {  	[sflag:s29] =	ssyncadd.s32 $0xFFFFFFFF  }
0xb4: {  	_ =	strace $0x90000048  }
0xb5: {  	_ =	sfence  }
0xb6: {  	s30 =	sld [smem:$0x0];
	_ =	sdelay $0x2  }
0xb7: {  	s31 =	sshll.u32 s1, $0xD;
	s1 =	sshrl.u32 s1, $0x2  }
0xb8: {  	s3 =	sand.u32 $0x4000, s31;
	s1 =	sadd.s32 s1, s30  }
0xb9: {  	s0 =	sor.u32 s3, s0;
	s1 =	sshll.u32 s1, $0x11  }
0xba: {  	s0 =	sor.u32 s1, s0  }
0xbb: {  	s0 =	sadd.s32 $0x8F2B, s0  }
0xbc: {  	[sflag:s0] =	ssyncadd.remote.s32 $0x1  }
0xbd: {  	_ =	sfence.sel $0xFFFF  }
0xbe: {  	[dreg:$0x0] =	wrdreg $0xFFFFFFFF;
	(pc) =	sbr.abs _section_cstart, $3  }
0xbf: {  	[dreg:$0x1] =	wrdreg $0xFFFFFFFF  }
0xc0: {  	_ =	task.clear_ibuf [dreg:s6], $0x2FFFF;
	_ =	strace $0x9FFFFFFF  }
0xc1: {  	(tm) =	ssettm $0x7FFFFFFF  }
tec
execute0_lowered:
.L_overlay_start_1:
0x0: {  	(tag) =	ssettag $0x1  }
0x1: {  	s8 =	rddreg [dreg:$0x0]  }
0x2: {  	s0 =	rddreg [dreg:$0x1];
	s1 =	simm.s32 $0x0  }
0x3: {  	s4 =	srdreg.scid;
	s2 =	stileid.u32;
	s11 =	simm.s32 $0x2  }
0x4: {  	s12 =	simm.s32 $0x80;
	s13 =	simm.s32 $0x200;
	s14 =	simm.s32 $0x2200  }
0x5: {  	s15 =	simm.s32 $0x100;
	s16 =	simm.s32 $0x4200;
	s17 =	simm.s32 $0x180  }
0x6: {  	s18 =	simm.s32 $0x6200;
	s19 =	simm.s32 $0x8200;
	s20 =	simm.s32 $0x1  }
0x7: {  	s21 =	simm.s32 $0x8C00;
	s22 =	simm.s32 $0x0;
	[smem:$0x7FF] =	sst s1  }
0x8: {  	s3 =	sadd.s32 $0x32E00, s8;
	s6 =	sand.u32 $0x1, s4;
	s4 =	sadd.s32 $0x1B9A00, s8  }
0x9: {  	s9 =	sshll.u32 s2, $0x1;
	s5 =	sadd.s32 $0x1E00, s8;
	s7 =	ssub.s32 $0x2, s6  }
0xa: {  	_ =	strace $0x80000047;
	s9 =	sor.u32 s6, s9;
	s10 =	sshrl.u32 s7, $0x1  }
0xb: {  	v0 =	vlaneseq.u32;
	s6 =	sadd.s32 $0x1A600, s8;
	s10 =	ssub.s32 s7, s10;
	s7 =	smul.u32 $0x620, s9  }
0xc: {  	v0 =	vmul.u32 $0x40, v0;
	s8 =	sadd.s32 $0x94E00, s8;
	s9 =	smul.u32 $0x6200, s9;
	s10 =	smax.u32 s10, $0x1  }
.LBB2_1:
0xd: {  	s23 =	simm.s32 $0x0  }
.LBB2_2:
0xe: {  	s24 =	sshll.u32 s23, $0x9  }
0xf: {  	s24 =	sadd.s32 s9, s24  }
0x10: {  	s24 =	sshrl.u32 s24, $0x3  }
0x11: {  	s26 =	simm.s32 $0x0;
	s24 =	sadd.s32 s5, s24  }
0x12: {  	[tilespmem:s26], [sflag:$0x2] =	stream.linear.gather [hbm4b:s24+s26], $0x200, $0x38;
	[tilespmem:$0x8E00] =	vst v63  }
0x13: {  	_ =	swait.ge [sflag:s11], $0x200  }
0x14: {  	[sflag:s11] =	ssyncset.done $0x0  }
0x15: {  	[sflag:s11] =	ssyncadd.s32 $0xFFFFFE00  }
0x16: {  	[tilespmem:s13], [sflag:$0x1] =	stream.indirect.gather [hbm4b:s4+s12], $0x40, s26, s12, $0xb8;
	[tilespmem:$0x8E00] =	vst v63  }
0x17: {  	s30 =	sshll.u32 s23, $0x5  }
0x18: {  	[tilespmem:s14], [sflag:$0x1] =	stream.indirect.gather [hbm4b:s4+s12], $0x40, s12, s12, $0xb8;
	[tilespmem:$0x8E00] =	vst v63  }
0x19: {  	s24 =	sadd.s32 s7, s30  }
0x1a: {  	[tilespmem:s16], [sflag:$0x1] =	stream.indirect.gather [hbm4b:s4+s12], $0x40, s15, s12, $0xb8;
	[tilespmem:$0x8E00] =	vst v63  }
0x1b: {  	s25 =	sshll.u32 s24, $0x3  }
0x1c: {  	[tilespmem:s18], [sflag:$0x1] =	stream.indirect.gather [hbm4b:s4+s12], $0x40, s17, s12, $0xb8;
	[tilespmem:$0x8E00] =	vst v63  }
0x1d: {  	s25 =	sadd.s32 s3, s25  }
0x1e: {  	[tilespmem:s19], [sflag:$0x2] =	stream.linear.gather [hbm4b:s25+s26], $0x800, $0x38;
	[tilespmem:$0x8E00] =	vst v63  }
0x1f: {  	_ =	swait.ge [sflag:s11], $0x800  }
0x20: {  	s24 =	sshll.u32 s24, $0x1;
	[sflag:s11] =	ssyncset.done $0x0  }
0x21: {  	s31 =	simm.s32 $0x8A00;
	s28 =	sadd.s32 s6, s24;
	[sflag:s11] =	ssyncadd.s32 $0xFFFFF800  }
0x22: {  	[tilespmem:s31], [sflag:$0x2] =	stream.linear.gather [hbm4b:s28+s26], $0x200, $0x38;
	[tilespmem:$0x8E00] =	vst v63  }
0x23: {  	_ =	swait.ge [sflag:s11], $0x200  }
0x24: {  	[sflag:s11] =	ssyncset.done $0x0  }
0x25: {  	[sflag:s11] =	ssyncadd.s32 $0xFFFFFE00  }
0x26: {  	_ =	swait.ge [sflag:s20], $0x2000  }
0x27: {  	[sflag:s20] =	ssyncset.done $0x0  }
0x28: {  	[sflag:s20] =	ssyncadd.s32 $0xFFFFE000  }
0x29: {  	_ =	swait.ge [sflag:s20], $0x2000  }
0x2a: {  	[sflag:s20] =	ssyncset.done $0x0  }
0x2b: {  	[sflag:s20] =	ssyncadd.s32 $0xFFFFE000  }
0x2c: {  	_ =	swait.ge [sflag:s20], $0x2000  }
0x2d: {  	v1 =	vmov s26;
	[sflag:s20] =	ssyncset.done $0x0  }
0x2e: {  	v1 =	vshll.u32 v1, $0x6;
	[sflag:s20] =	ssyncadd.s32 $0xFFFFE000  }
0x2f: {  	v1 =	vor.u32 v0, v1;
	_ =	swait.ge [sflag:s20], $0x2000  }
0x30: {  	[sflag:s20] =	ssyncset.done $0x0  }
0x31: {  	s30 =	simm.s32 $0x8220;
	v2 =	vor.u32 $0x1, v1;
	[sflag:s20] =	ssyncadd.s32 $0xFFFFE000  }
0x32: {  	v3 =	vld [tilespmem:s30+$0xFFFFFFE0]  }
0x33: {  	v4 =	vor.u32 $0x2, v1  }
0x34: {  	v5 =	vld.idx.msk [tilespmem:v1+s13+$0x0], $0xffff  }
0x35: {  	v6 =	vor.u32 $0x3, v1  }
0x36: {  	v2 =	vld.idx.msk [tilespmem:v2+s13+$0x0], $0xffff  }
0x37: {  	v7 =	vor.u32 $0x4, v1;
	v8 =	vbroadcast v3, $0x0  }
0x38: {  	v4 =	vld.idx.msk [tilespmem:v4+s13+$0x0], $0xffff  }
0x39: {  	v9 =	vor.u32 $0x5, v1;
	v20 =	vbroadcast v3, $0x1;
	v5 =	vmul.f32 v8, v5  }
0x3a: {  	v10 =	vor.u32 $0x6, v1;
	v6 =	vld.idx.msk [tilespmem:v6+s13+$0x0], $0xffff  }
0x3b: {  	v21 =	vbroadcast v3, $0x2;
	v2 =	vmul.f32 v2, v20;
	v5 =	vadd.f32 $0.0e+00, v5  }
0x3c: {  	v11 =	vor.u32 $0x7, v1;
	v7 =	vld.idx.msk [tilespmem:v7+s13+$0x0], $0xffff  }
0x3d: {  	v22 =	vbroadcast v3, $0x3;
	v4 =	vmul.f32 v4, v21;
	v2 =	vadd.f32 v2, v5  }
0x3e: {  	v24 =	vor.u32 $0x8, v1;
	v23 =	vld.idx.msk [tilespmem:v9+s13+$0x0], $0xffff  }
0x3f: {  	v26 =	vbroadcast v3, $0x4;
	v25 =	vmul.f32 v6, v22;
	v2 =	vadd.f32 v4, v2  }
0x40: {  	v28 =	vor.u32 $0x9, v1;
	v27 =	vld.idx.msk [tilespmem:v10+s13+$0x0], $0xffff  }
0x41: {  	v30 =	vbroadcast v3, $0x5;
	v29 =	vmul.f32 v7, v26;
	v2 =	vadd.f32 v25, v2  }
0x42: {  	v32 =	vor.u32 $0xA, v1;
	v31 =	vld.idx.msk [tilespmem:v11+s13+$0x0], $0xffff  }
0x43: {  	v34 =	vbroadcast v3, $0x6;
	v33 =	vmul.f32 v23, v30;
	v2 =	vadd.f32 v29, v2  }
0x44: {  	v36 =	vor.u32 $0xB, v1;
	v35 =	vld.idx.msk [tilespmem:v24+s13+$0x0], $0xffff  }
0x45: {  	v38 =	vbroadcast v3, $0x7;
	v37 =	vmul.f32 v27, v34;
	v2 =	vadd.f32 v33, v2  }
0x46: {  	v40 =	vor.u32 $0xC, v1;
	v39 =	vld.idx.msk [tilespmem:v28+s13+$0x0], $0xffff  }
0x47: {  	v42 =	vbroadcast v3, $0x8;
	v41 =	vmul.f32 v31, v38;
	v2 =	vadd.f32 v37, v2  }
0x48: {  	v44 =	vor.u32 $0xD, v1;
	v43 =	vld.idx.msk [tilespmem:v32+s13+$0x0], $0xffff  }
0x49: {  	v46 =	vbroadcast v3, $0x9;
	v45 =	vmul.f32 v35, v42;
	v2 =	vadd.f32 v41, v2  }
0x4a: {  	v48 =	vor.u32 $0xE, v1;
	v47 =	vld.idx.msk [tilespmem:v36+s13+$0x0], $0xffff  }
0x4b: {  	v50 =	vbroadcast v3, $0xA;
	v49 =	vmul.f32 v39, v46;
	v2 =	vadd.f32 v45, v2  }
0x4c: {  	v52 =	vor.u32 $0xF, v1;
	v51 =	vld.idx.msk [tilespmem:v40+s13+$0x0], $0xffff  }
0x4d: {  	v54 =	vbroadcast v3, $0xB;
	v53 =	vmul.f32 v43, v50;
	v2 =	vadd.f32 v49, v2  }
0x4e: {  	v56 =	vor.u32 $0x10, v1;
	v55 =	vld.idx.msk [tilespmem:v44+s13+$0x0], $0xffff  }
0x4f: {  	v58 =	vbroadcast v3, $0xC;
	v57 =	vmul.f32 v47, v54;
	v2 =	vadd.f32 v53, v2  }
0x50: {  	v60 =	vor.u32 $0x11, v1;
	v59 =	vld.idx.msk [tilespmem:v48+s13+$0x0], $0xffff  }
0x51: {  	v63 =	vld.idx.msk [tilespmem:v52+s13+$0x0], $0xffff;
	v62 =	vbroadcast v3, $0xD;
	v61 =	vmul.f32 v51, v58;
	v2 =	vadd.f32 v57, v2  }
0x52: {  	v12 =	vor.u32 $0x12, v1;
	v10 =	vld [tilespmem:s30+$0xFFFFFFF0]  }
0x53: {  	v16 =	vbroadcast v3, $0xE;
	v15 =	vmul.f32 v55, v62;
	v2 =	vadd.f32 v61, v2  }
0x54: {  	v18 =	vor.u32 $0x13, v1;
	v17 =	vld.idx.msk [tilespmem:v56+s13+$0x0], $0xffff  }
0x55: {  	v3 =	vbroadcast v3, $0xF;
	v19 =	vmul.f32 v59, v16;
	v2 =	vadd.f32 v15, v2  }
0x56: {  	v20 =	vld.idx.msk [tilespmem:v60+s13+$0x0], $0xffff;
	v21 =	vor.u32 $0x14, v1  }
0x57: {  	v3 =	vmul.f32 v63, v3;
	v22 =	vbroadcast v10, $0x0;
	v2 =	vadd.f32 v19, v2  }
0x58: {  	v24 =	vor.u32 $0x15, v1;
	v23 =	vld.idx.msk [tilespmem:v12+s13+$0x0], $0xffff  }
0x59: {  	v25 =	vbroadcast v10, $0x1;
	v2 =	vadd.f32 v3, v2;
	v3 =	vmul.f32 v22, v17  }
0x5a: {  	v28 =	vbroadcast v10, $0x2;
	v26 =	vld.idx.msk [tilespmem:v18+s13+$0x0], $0xffff  }
0x5b: {  	v27 =	vor.u32 $0x16, v1;
	v2 =	vadd.f32 v3, v2;
	v3 =	vmul.f32 v20, v25  }
0x5c: {  	v30 =	vor.u32 $0x17, v1;
	v29 =	vld.idx.msk [tilespmem:v21+s13+$0x0], $0xffff  }
0x5d: {  	v31 =	vbroadcast v10, $0x3;
	v2 =	vadd.f32 v3, v2;
	v3 =	vmul.f32 v23, v28  }
0x5e: {  	v32 =	vld.idx.msk [tilespmem:v24+s13+$0x0], $0xffff;
	v34 =	vbroadcast v10, $0x4  }
0x5f: {  	v33 =	vor.u32 $0x18, v1;
	v2 =	vadd.f32 v3, v2;
	v3 =	vmul.f32 v26, v31  }
0x60: {  	v36 =	vor.u32 $0x19, v1;
	v35 =	vld.idx.msk [tilespmem:v27+s13+$0x0], $0xffff  }
0x61: {  	v37 =	vbroadcast v10, $0x5;
	v2 =	vadd.f32 v3, v2;
	v3 =	vmul.f32 v29, v34  }
0x62: {  	v40 =	vbroadcast v10, $0x6;
	v38 =	vld.idx.msk [tilespmem:v30+s13+$0x0], $0xffff  }
0x63: {  	v39 =	vor.u32 $0x1A, v1;
	v2 =	vadd.f32 v3, v2;
	v3 =	vmul.f32 v32, v37  }
0x64: {  	v42 =	vor.u32 $0x1B, v1;
	v41 =	vld.idx.msk [tilespmem:v33+s13+$0x0], $0xffff  }
0x65: {  	v43 =	vbroadcast v10, $0x7;
	v2 =	vadd.f32 v3, v2;
	v3 =	vmul.f32 v35, v40  }
0x66: {  	v44 =	vld.idx.msk [tilespmem:v36+s13+$0x0], $0xffff;
	v46 =	vbroadcast v10, $0x8  }
0x67: {  	v45 =	vor.u32 $0x1C, v1;
	v2 =	vadd.f32 v3, v2;
	v3 =	vmul.f32 v38, v43  }
0x68: {  	v48 =	vor.u32 $0x1D, v1;
	v47 =	vld.idx.msk [tilespmem:v39+s13+$0x0], $0xffff  }
0x69: {  	v49 =	vbroadcast v10, $0x9;
	v2 =	vadd.f32 v3, v2;
	v3 =	vmul.f32 v41, v46  }
0x6a: {  	v52 =	vbroadcast v10, $0xA;
	v50 =	vld.idx.msk [tilespmem:v42+s13+$0x0], $0xffff  }
0x6b: {  	v51 =	vor.u32 $0x1E, v1;
	v2 =	vadd.f32 v3, v2;
	v3 =	vmul.f32 v44, v49  }
0x6c: {  	v54 =	vor.u32 $0x1F, v1;
	v53 =	vld.idx.msk [tilespmem:v45+s13+$0x0], $0xffff  }
0x6d: {  	v55 =	vbroadcast v10, $0xB;
	v2 =	vadd.f32 v3, v2;
	v3 =	vmul.f32 v47, v52  }
0x6e: {  	v56 =	vld.idx.msk [tilespmem:v48+s13+$0x0], $0xffff;
	v58 =	vbroadcast v10, $0xC  }
0x6f: {  	v57 =	vor.u32 $0x20, v1;
	v2 =	vadd.f32 v3, v2;
	v3 =	vmul.f32 v50, v55  }
0x70: {  	v60 =	vor.u32 $0x21, v1;
	v59 =	vld.idx.msk [tilespmem:v51+s13+$0x0], $0xffff  }
0x71: {  	v11 =	vld [tilespmem:s30+$0x0];
	v61 =	vbroadcast v10, $0xD;
	v2 =	vadd.f32 v3, v2;
	v3 =	vmul.f32 v53, v58  }
0x72: {  	v63 =	vor.u32 $0x22, v1;
	v62 =	vld.idx.msk [tilespmem:v54+s13+$0x0], $0xffff  }
0x73: {  	v16 =	vbroadcast v10, $0xE;
	v2 =	vadd.f32 v3, v2;
	v3 =	vmul.f32 v56, v61  }
0x74: {  	v18 =	vor.u32 $0x23, v1;
	v17 =	vld.idx.msk [tilespmem:v57+s13+$0x0], $0xffff  }
0x75: {  	v19 =	vbroadcast v10, $0xF;
	v2 =	vadd.f32 v3, v2;
	v3 =	vmul.f32 v59, v16  }
0x76: {  	v21 =	vor.u32 $0x24, v1;
	v20 =	vld.idx.msk [tilespmem:v60+s13+$0x0], $0xffff  }
0x77: {  	v22 =	vbroadcast v11, $0x0;
	v2 =	vadd.f32 v3, v2;
	v3 =	vmul.f32 v62, v19  }
0x78: {  	v24 =	vor.u32 $0x25, v1;
	v23 =	vld.idx.msk [tilespmem:v63+s13+$0x0], $0xffff  }
0x79: {  	v25 =	vbroadcast v11, $0x1;
	v2 =	vadd.f32 v3, v2;
	v3 =	vmul.f32 v22, v17  }
0x7a: {  	v27 =	vor.u32 $0x26, v1;
	v26 =	vld.idx.msk [tilespmem:v18+s13+$0x0], $0xffff  }
0x7b: {  	v28 =	vbroadcast v11, $0x2;
	v2 =	vadd.f32 v3, v2;
	v3 =	vmul.f32 v20, v25  }
0x7c: {  	v30 =	vor.u32 $0x27, v1;
	v29 =	vld.idx.msk [tilespmem:v21+s13+$0x0], $0xffff  }
0x7d: {  	v31 =	vbroadcast v11, $0x3;
	v2 =	vadd.f32 v3, v2;
	v3 =	vmul.f32 v23, v28  }
0x7e: {  	v33 =	vor.u32 $0x28, v1;
	v32 =	vld.idx.msk [tilespmem:v24+s13+$0x0], $0xffff  }
0x7f: {  	v34 =	vbroadcast v11, $0x4;
	v2 =	vadd.f32 v3, v2;
	v3 =	vmul.f32 v26, v31  }
0x80: {  	v36 =	vor.u32 $0x29, v1;
	v35 =	vld.idx.msk [tilespmem:v27+s13+$0x0], $0xffff  }
0x81: {  	v37 =	vbroadcast v11, $0x5;
	v2 =	vadd.f32 v3, v2;
	v3 =	vmul.f32 v29, v34  }
0x82: {  	v39 =	vor.u32 $0x2A, v1;
	v38 =	vld.idx.msk [tilespmem:v30+s13+$0x0], $0xffff  }
0x83: {  	v40 =	vbroadcast v11, $0x6;
	v2 =	vadd.f32 v3, v2;
	v3 =	vmul.f32 v32, v37  }
0x84: {  	v42 =	vor.u32 $0x2B, v1;
	v41 =	vld.idx.msk [tilespmem:v33+s13+$0x0], $0xffff  }
0x85: {  	v43 =	vbroadcast v11, $0x7;
	v2 =	vadd.f32 v3, v2;
	v3 =	vmul.f32 v35, v40  }
0x86: {  	v45 =	vor.u32 $0x2C, v1;
	v44 =	vld.idx.msk [tilespmem:v36+s13+$0x0], $0xffff  }
0x87: {  	v46 =	vbroadcast v11, $0x8;
	v2 =	vadd.f32 v3, v2;
	v3 =	vmul.f32 v38, v43  }
0x88: {  	v48 =	vor.u32 $0x2D, v1;
	v47 =	vld.idx.msk [tilespmem:v39+s13+$0x0], $0xffff  }
0x89: {  	v49 =	vbroadcast v11, $0x9;
	v2 =	vadd.f32 v3, v2;
	v3 =	vmul.f32 v41, v46  }
0x8a: {  	v51 =	vor.u32 $0x2E, v1;
	v50 =	vld.idx.msk [tilespmem:v42+s13+$0x0], $0xffff  }
0x8b: {  	v52 =	vbroadcast v11, $0xA;
	v2 =	vadd.f32 v3, v2;
	v3 =	vmul.f32 v44, v49  }
0x8c: {  	v54 =	vor.u32 $0x2F, v1;
	v53 =	vld.idx.msk [tilespmem:v45+s13+$0x0], $0xffff  }
0x8d: {  	v55 =	vbroadcast v11, $0xB;
	v2 =	vadd.f32 v3, v2;
	v3 =	vmul.f32 v47, v52  }
0x8e: {  	v57 =	vor.u32 $0x30, v1;
	v56 =	vld.idx.msk [tilespmem:v48+s13+$0x0], $0xffff  }
0x8f: {  	v58 =	vbroadcast v11, $0xC;
	v2 =	vadd.f32 v3, v2;
	v3 =	vmul.f32 v50, v55  }
0x90: {  	v60 =	vor.u32 $0x31, v1;
	v59 =	vld.idx.msk [tilespmem:v51+s13+$0x0], $0xffff  }
0x91: {  	v63 =	vld [tilespmem:s30+$0x10];
	v61 =	vbroadcast v11, $0xD;
	v2 =	vadd.f32 v3, v2;
	v3 =	vmul.f32 v53, v58  }
0x92: {  	v16 =	vor.u32 $0x32, v1;
	v62 =	vld.idx.msk [tilespmem:v54+s13+$0x0], $0xffff  }
0x93: {  	v17 =	vbroadcast v11, $0xE;
	v2 =	vadd.f32 v3, v2;
	v3 =	vmul.f32 v56, v61  }
0x94: {  	v18 =	vld.idx.msk [tilespmem:v57+s13+$0x0], $0xffff;
	v19 =	vor.u32 $0x33, v1  }
0x95: {  	v20 =	vbroadcast v11, $0xF;
	v2 =	vadd.f32 v3, v2;
	v3 =	vmul.f32 v59, v17  }
0x96: {  	v21 =	vld.idx.msk [tilespmem:v60+s13+$0x0], $0xffff;
	v22 =	vor.u32 $0x34, v1  }
0x97: {  	v23 =	vbroadcast v63, $0x0;
	v2 =	vadd.f32 v3, v2;
	v3 =	vmul.f32 v62, v20  }
0x98: {  	v24 =	vld.idx.msk [tilespmem:v16+s13+$0x0], $0xffff;
	v25 =	vor.u32 $0x35, v1  }
0x99: {  	v26 =	vbroadcast v63, $0x1;
	v2 =	vadd.f32 v3, v2;
	v3 =	vmul.f32 v23, v18  }
0x9a: {  	v27 =	vld.idx.msk [tilespmem:v19+s13+$0x0], $0xffff;
	v28 =	vor.u32 $0x36, v1  }
0x9b: {  	v29 =	vbroadcast v63, $0x2;
	v2 =	vadd.f32 v3, v2;
	v3 =	vmul.f32 v21, v26  }
0x9c: {  	v30 =	vld.idx.msk [tilespmem:v22+s13+$0x0], $0xffff;
	v31 =	vor.u32 $0x37, v1  }
0x9d: {  	v32 =	vbroadcast v63, $0x3;
	v2 =	vadd.f32 v3, v2;
	v3 =	vmul.f32 v24, v29  }
0x9e: {  	v33 =	vld.idx.msk [tilespmem:v25+s13+$0x0], $0xffff;
	v34 =	vor.u32 $0x38, v1  }
0x9f: {  	v35 =	vbroadcast v63, $0x4;
	v2 =	vadd.f32 v3, v2;
	v3 =	vmul.f32 v27, v32  }
0xa0: {  	v36 =	vld.idx.msk [tilespmem:v28+s13+$0x0], $0xffff;
	v37 =	vor.u32 $0x39, v1  }
0xa1: {  	v38 =	vbroadcast v63, $0x5;
	v2 =	vadd.f32 v3, v2;
	v3 =	vmul.f32 v30, v35  }
0xa2: {  	v39 =	vld.idx.msk [tilespmem:v31+s13+$0x0], $0xffff;
	v40 =	vor.u32 $0x3A, v1  }
0xa3: {  	v41 =	vbroadcast v63, $0x6;
	v2 =	vadd.f32 v3, v2;
	v3 =	vmul.f32 v33, v38  }
0xa4: {  	v42 =	vld.idx.msk [tilespmem:v34+s13+$0x0], $0xffff;
	v43 =	vor.u32 $0x3B, v1  }
0xa5: {  	v44 =	vbroadcast v63, $0x7;
	v2 =	vadd.f32 v3, v2;
	v3 =	vmul.f32 v36, v41  }
0xa6: {  	v45 =	vld.idx.msk [tilespmem:v37+s13+$0x0], $0xffff;
	v46 =	vor.u32 $0x3C, v1  }
0xa7: {  	v47 =	vbroadcast v63, $0x8;
	v2 =	vadd.f32 v3, v2;
	v3 =	vmul.f32 v39, v44  }
0xa8: {  	v48 =	vld.idx.msk [tilespmem:v40+s13+$0x0], $0xffff;
	v49 =	vor.u32 $0x3D, v1  }
0xa9: {  	v50 =	vbroadcast v63, $0x9;
	v2 =	vadd.f32 v3, v2;
	v3 =	vmul.f32 v42, v47  }
0xaa: {  	v51 =	vld.idx.msk [tilespmem:v43+s13+$0x0], $0xffff;
	v52 =	vor.u32 $0x3E, v1  }
0xab: {  	v53 =	vbroadcast v63, $0xA;
	v2 =	vadd.f32 v3, v2;
	v3 =	vmul.f32 v45, v50  }
0xac: {  	v1 =	vor.u32 $0x3F, v1;
	v54 =	vld.idx.msk [tilespmem:v46+s13+$0x0], $0xffff  }
0xad: {  	v55 =	vbroadcast v63, $0xB;
	v2 =	vadd.f32 v3, v2;
	v3 =	vmul.f32 v48, v53  }
0xae: {  	v56 =	vld.idx.msk [tilespmem:v49+s13+$0x0], $0xffff  }
0xaf: {  	v57 =	vbroadcast v63, $0xC;
	v2 =	vadd.f32 v3, v2;
	v3 =	vmul.f32 v51, v55  }
0xb0: {  	v58 =	vld.idx.msk [tilespmem:v52+s13+$0x0], $0xffff  }
0xb1: {  	v59 =	vbroadcast v63, $0xD;
	v2 =	vadd.f32 v3, v2;
	v3 =	vmul.f32 v54, v57  }
0xb2: {  	v1 =	vld.idx.msk [tilespmem:v1+s13+$0x0], $0xffff  }
0xb3: {  	v60 =	vbroadcast v63, $0xE;
	v2 =	vadd.f32 v3, v2;
	v3 =	vmul.f32 v56, v59;
	_ =	sdelay $0x1  }
0xb4: {  	v61 =	vbroadcast v63, $0xF;
	v2 =	vadd.f32 v3, v2;
	v3 =	vmul.f32 v58, v60  }
0xb5: {  	v62 =	vld [tilespmem:s31+$0x0]  }
0xb6: {  	v1 =	vmul.f32 v1, v61;
	v2 =	vadd.f32 v3, v2;
	_ =	sdelay $0x1  }
0xb7: {  	v1 =	vadd.f32 v1, v2;
	_ =	sdelay $0x1  }
0xb8: {  	v1 =	vadd.f32 v1, v62;
	_ =	sdelay $0x1  }
0xb9: {  	v1 =	vsub.f32 $0.0e+00, v1;
	_ =	sdelay $0x1  }
0xba: {  	v1 =	vmul.f32 $1.442695020e+00, v1;
	_ =	sdelay $0x1  }
0xbb: {  	(erf) = vpow2.f32 v1;
	_ =	sdelay $0x8  }
0xbc: {  	v1 =	vpop (erf)  }
0xbd: {  	v1 =	vadd.f32 $1.000000000e+00, v1;
	_ =	sdelay $0x1  }
0xbe: {  	(erf) = vrcp.f32 v1;
	_ =	sdelay $0x4  }
0xbf: {  	s31 =	simm.s32 $0x10  }
0xc0: {  	v1 =	vmov s31  }
0xc1: {  	v1 =	vshll.u32 v1, $0x6  }
0xc2: {  	v1 =	vor.u32 v0, v1  }
0xc3: {  	s25 =	simm.s32 $0x8C00;
	v2 =	vpop (erf)  }
0xc4: {  	s26 =	simm.s32 $0x8260;
	v3 =	vor.u32 $0x1, v1;
	[tilespmem:s25+$0x0] =	vst v2  }
0xc5: {  	v2 =	vld [tilespmem:s26+$0xFFFFFFE0]  }
0xc6: {  	v63 =	vor.u32 $0x2, v1  }
0xc7: {  	v12 =	vld.idx.msk [tilespmem:v1+s13+$0x0], $0xffff  }
0xc8: {  	v13 =	vor.u32 $0x3, v1  }
0xc9: {  	v3 =	vld.idx.msk [tilespmem:v3+s13+$0x0], $0xffff  }
0xca: {  	v14 =	vor.u32 $0x4, v1;
	v15 =	vbroadcast v2, $0x0  }
0xcb: {  	v4 =	vld.idx.msk [tilespmem:v63+s13+$0x0], $0xffff  }
0xcc: {  	v16 =	vor.u32 $0x5, v1;
	v17 =	vbroadcast v2, $0x1;
	v5 =	vmul.f32 v15, v12  }
0xcd: {  	v18 =	vor.u32 $0x6, v1;
	v6 =	vld.idx.msk [tilespmem:v13+s13+$0x0], $0xffff  }
0xce: {  	v19 =	vbroadcast v2, $0x2;
	v3 =	vmul.f32 v3, v17;
	v5 =	vadd.f32 $0.0e+00, v5  }
0xcf: {  	v20 =	vor.u32 $0x7, v1;
	v7 =	vld.idx.msk [tilespmem:v14+s13+$0x0], $0xffff  }
0xd0: {  	v21 =	vbroadcast v2, $0x3;
	v4 =	vmul.f32 v4, v19;
	v3 =	vadd.f32 v3, v5  }
0xd1: {  	v23 =	vor.u32 $0x8, v1;
	v22 =	vld.idx.msk [tilespmem:v16+s13+$0x0], $0xffff  }
0xd2: {  	v25 =	vbroadcast v2, $0x4;
	v24 =	vmul.f32 v6, v21;
	v3 =	vadd.f32 v4, v3  }
0xd3: {  	v27 =	vor.u32 $0x9, v1;
	v26 =	vld.idx.msk [tilespmem:v18+s13+$0x0], $0xffff  }
0xd4: {  	v29 =	vbroadcast v2, $0x5;
	v28 =	vmul.f32 v7, v25;
	v3 =	vadd.f32 v24, v3  }
0xd5: {  	v31 =	vor.u32 $0xA, v1;
	v30 =	vld.idx.msk [tilespmem:v20+s13+$0x0], $0xffff  }
0xd6: {  	v33 =	vbroadcast v2, $0x6;
	v32 =	vmul.f32 v22, v29;
	v3 =	vadd.f32 v28, v3  }
0xd7: {  	v35 =	vor.u32 $0xB, v1;
	v34 =	vld.idx.msk [tilespmem:v23+s13+$0x0], $0xffff  }
0xd8: {  	v37 =	vbroadcast v2, $0x7;
	v36 =	vmul.f32 v26, v33;
	v3 =	vadd.f32 v32, v3  }
0xd9: {  	v39 =	vor.u32 $0xC, v1;
	v38 =	vld.idx.msk [tilespmem:v27+s13+$0x0], $0xffff  }
0xda: {  	v41 =	vbroadcast v2, $0x8;
	v40 =	vmul.f32 v30, v37;
	v3 =	vadd.f32 v36, v3  }
0xdb: {  	v43 =	vor.u32 $0xD, v1;
	v42 =	vld.idx.msk [tilespmem:v31+s13+$0x0], $0xffff  }
0xdc: {  	v45 =	vbroadcast v2, $0x9;
	v44 =	vmul.f32 v34, v41;
	v3 =	vadd.f32 v40, v3  }
0xdd: {  	v47 =	vor.u32 $0xE, v1;
	v46 =	vld.idx.msk [tilespmem:v35+s13+$0x0], $0xffff  }
0xde: {  	v49 =	vbroadcast v2, $0xA;
	v48 =	vmul.f32 v38, v45;
	v3 =	vadd.f32 v44, v3  }
0xdf: {  	v51 =	vor.u32 $0xF, v1;
	v50 =	vld.idx.msk [tilespmem:v39+s13+$0x0], $0xffff  }
0xe0: {  	v53 =	vbroadcast v2, $0xB;
	v52 =	vmul.f32 v42, v49;
	v3 =	vadd.f32 v48, v3  }
0xe1: {  	v55 =	vor.u32 $0x10, v1;
	v54 =	vld.idx.msk [tilespmem:v43+s13+$0x0], $0xffff  }
0xe2: {  	v57 =	vbroadcast v2, $0xC;
	v56 =	vmul.f32 v46, v53;
	v3 =	vadd.f32 v52, v3  }
0xe3: {  	v59 =	vor.u32 $0x11, v1;
	v58 =	vld.idx.msk [tilespmem:v47+s13+$0x0], $0xffff  }
0xe4: {  	v10 =	vld [tilespmem:s26+$0xFFFFFFF0];
	v61 =	vbroadcast v2, $0xD;
	v60 =	vmul.f32 v50, v57;
	v3 =	vadd.f32 v56, v3  }
0xe5: {  	v62 =	vld.idx.msk [tilespmem:v51+s13+$0x0], $0xffff;
	v63 =	vor.u32 $0x12, v1  }
0xe6: {  	v16 =	vmul.f32 v54, v61;
	v17 =	vbroadcast v2, $0xE;
	v3 =	vadd.f32 v60, v3  }
0xe7: {  	v18 =	vld.idx.msk [tilespmem:v55+s13+$0x0], $0xffff;
	v19 =	vor.u32 $0x13, v1  }
0xe8: {  	v2 =	vbroadcast v2, $0xF;
	v20 =	vmul.f32 v58, v17;
	v3 =	vadd.f32 v16, v3  }
0xe9: {  	v23 =	vbroadcast v10, $0x0;
	v21 =	vld.idx.msk [tilespmem:v59+s13+$0x0], $0xffff  }
0xea: {  	v22 =	vor.u32 $0x14, v1;
	v2 =	vmul.f32 v62, v2;
	v3 =	vadd.f32 v20, v3  }
0xeb: {  	v25 =	vor.u32 $0x15, v1;
	v24 =	vld.idx.msk [tilespmem:v63+s13+$0x0], $0xffff  }
0xec: {  	v26 =	vbroadcast v10, $0x1;
	v2 =	vadd.f32 v2, v3;
	v3 =	vmul.f32 v23, v18  }
0xed: {  	v29 =	vbroadcast v10, $0x2;
	v27 =	vld.idx.msk [tilespmem:v19+s13+$0x0], $0xffff  }
0xee: {  	v28 =	vor.u32 $0x16, v1;
	v2 =	vadd.f32 v3, v2;
	v3 =	vmul.f32 v21, v26  }
0xef: {  	v31 =	vor.u32 $0x17, v1;
	v30 =	vld.idx.msk [tilespmem:v22+s13+$0x0], $0xffff  }
0xf0: {  	v32 =	vbroadcast v10, $0x3;
	v2 =	vadd.f32 v3, v2;
	v3 =	vmul.f32 v24, v29  }
0xf1: {  	v35 =	vbroadcast v10, $0x4;
	v33 =	vld.idx.msk [tilespmem:v25+s13+$0x0], $0xffff  }
0xf2: {  	v34 =	vor.u32 $0x18, v1;
	v2 =	vadd.f32 v3, v2;
	v3 =	vmul.f32 v27, v32  }
0xf3: {  	v37 =	vor.u32 $0x19, v1;
	v36 =	vld.idx.msk [tilespmem:v28+s13+$0x0], $0xffff  }
0xf4: {  	v38 =	vbroadcast v10, $0x5;
	v2 =	vadd.f32 v3, v2;
	v3 =	vmul.f32 v30, v35  }
0xf5: {  	v39 =	vld.idx.msk [tilespmem:v31+s13+$0x0], $0xffff;
	v41 =	vbroadcast v10, $0x6  }
0xf6: {  	v40 =	vor.u32 $0x1A, v1;
	v2 =	vadd.f32 v3, v2;
	v3 =	vmul.f32 v33, v38  }
0xf7: {  	v43 =	vor.u32 $0x1B, v1;
	v42 =	vld.idx.msk [tilespmem:v34+s13+$0x0], $0xffff  }
0xf8: {  	v44 =	vbroadcast v10, $0x7;
	v2 =	vadd.f32 v3, v2;
	v3 =	vmul.f32 v36, v41  }
0xf9: {  	v47 =	vbroadcast v10, $0x8;
	v45 =	vld.idx.msk [tilespmem:v37+s13+$0x0], $0xffff  }
0xfa: {  	v46 =	vor.u32 $0x1C, v1;
	v2 =	vadd.f32 v3, v2;
	v3 =	vmul.f32 v39, v44  }
0xfb: {  	v49 =	vor.u32 $0x1D, v1;
	v48 =	vld.idx.msk [tilespmem:v40+s13+$0x0], $0xffff  }
0xfc: {  	v50 =	vbroadcast v10, $0x9;
	v2 =	vadd.f32 v3, v2;
	v3 =	vmul.f32 v42, v47  }
0xfd: {  	v51 =	vld.idx.msk [tilespmem:v43+s13+$0x0], $0xffff;
	v53 =	vbroadcast v10, $0xA  }
0xfe: {  	v52 =	vor.u32 $0x1E, v1;
	v2 =	vadd.f32 v3, v2;
	v3 =	vmul.f32 v45, v50  }
0xff: {  	v55 =	vor.u32 $0x1F, v1;
	v54 =	vld.idx.msk [tilespmem:v46+s13+$0x0], $0xffff  }
0x100: {  	v56 =	vbroadcast v10, $0xB;
	v2 =	vadd.f32 v3, v2;
	v3 =	vmul.f32 v48, v53  }
0x101: {  	v59 =	vbroadcast v10, $0xC;
	v57 =	vld.idx.msk [tilespmem:v49+s13+$0x0], $0xffff  }
0x102: {  	v58 =	vor.u32 $0x20, v1;
	v2 =	vadd.f32 v3, v2;
	v3 =	vmul.f32 v51, v56  }
0x103: {  	v61 =	vor.u32 $0x21, v1;
	v60 =	vld.idx.msk [tilespmem:v52+s13+$0x0], $0xffff  }
0x104: {  	v11 =	vld [tilespmem:s26+$0x0];
	v62 =	vbroadcast v10, $0xD;
	v2 =	vadd.f32 v3, v2;
	v3 =	vmul.f32 v54, v59  }
0x105: {  	v17 =	vbroadcast v10, $0xE;
	v63 =	vld.idx.msk [tilespmem:v55+s13+$0x0], $0xffff  }
0x106: {  	v16 =	vor.u32 $0x22, v1;
	v2 =	vadd.f32 v3, v2;
	v3 =	vmul.f32 v57, v62  }
0x107: {  	v19 =	vor.u32 $0x23, v1;
	v18 =	vld.idx.msk [tilespmem:v58+s13+$0x0], $0xffff  }
0x108: {  	v20 =	vbroadcast v10, $0xF;
	v2 =	vadd.f32 v3, v2;
	v3 =	vmul.f32 v60, v17  }
0x109: {  	v22 =	vor.u32 $0x24, v1;
	v21 =	vld.idx.msk [tilespmem:v61+s13+$0x0], $0xffff  }
0x10a: {  	v23 =	vbroadcast v11, $0x0;
	v2 =	vadd.f32 v3, v2;
	v3 =	vmul.f32 v63, v20  }
0x10b: {  	v25 =	vor.u32 $0x25, v1;
	v24 =	vld.idx.msk [tilespmem:v16+s13+$0x0], $0xffff  }
0x10c: {  	v26 =	vbroadcast v11, $0x1;
	v2 =	vadd.f32 v3, v2;
	v3 =	vmul.f32 v23, v18  }
0x10d: {  	v28 =	vor.u32 $0x26, v1;
	v27 =	vld.idx.msk [tilespmem:v19+s13+$0x0], $0xffff  }
0x10e: {  	v29 =	vbroadcast v11, $0x2;
	v2 =	vadd.f32 v3, v2;
	v3 =	vmul.f32 v21, v26  }
0x10f: {  	v31 =	vor.u32 $0x27, v1;
	v30 =	vld.idx.msk [tilespmem:v22+s13+$0x0], $0xffff  }
0x110: {  	v32 =	vbroadcast v11, $0x3;
	v2 =	vadd.f32 v3, v2;
	v3 =	vmul.f32 v24, v29  }
0x111: {  	v34 =	vor.u32 $0x28, v1;
	v33 =	vld.idx.msk [tilespmem:v25+s13+$0x0], $0xffff  }
0x112: {  	v35 =	vbroadcast v11, $0x4;
	v2 =	vadd.f32 v3, v2;
	v3 =	vmul.f32 v27, v32  }
0x113: {  	v37 =	vor.u32 $0x29, v1;
	v36 =	vld.idx.msk [tilespmem:v28+s13+$0x0], $0xffff  }
0x114: {  	v38 =	vbroadcast v11, $0x5;
	v2 =	vadd.f32 v3, v2;
	v3 =	vmul.f32 v30, v35  }
0x115: {  	v40 =	vor.u32 $0x2A, v1;
	v39 =	vld.idx.msk [tilespmem:v31+s13+$0x0], $0xffff  }
0x116: {  	v41 =	vbroadcast v11, $0x6;
	v2 =	vadd.f32 v3, v2;
	v3 =	vmul.f32 v33, v38  }
0x117: {  	v43 =	vor.u32 $0x2B, v1;
	v42 =	vld.idx.msk [tilespmem:v34+s13+$0x0], $0xffff  }
0x118: {  	v44 =	vbroadcast v11, $0x7;
	v2 =	vadd.f32 v3, v2;
	v3 =	vmul.f32 v36, v41  }
0x119: {  	v46 =	vor.u32 $0x2C, v1;
	v45 =	vld.idx.msk [tilespmem:v37+s13+$0x0], $0xffff  }
0x11a: {  	v47 =	vbroadcast v11, $0x8;
	v2 =	vadd.f32 v3, v2;
	v3 =	vmul.f32 v39, v44  }
0x11b: {  	v49 =	vor.u32 $0x2D, v1;
	v48 =	vld.idx.msk [tilespmem:v40+s13+$0x0], $0xffff  }
0x11c: {  	v50 =	vbroadcast v11, $0x9;
	v2 =	vadd.f32 v3, v2;
	v3 =	vmul.f32 v42, v47  }
0x11d: {  	v52 =	vor.u32 $0x2E, v1;
	v51 =	vld.idx.msk [tilespmem:v43+s13+$0x0], $0xffff  }
0x11e: {  	v53 =	vbroadcast v11, $0xA;
	v2 =	vadd.f32 v3, v2;
	v3 =	vmul.f32 v45, v50  }
0x11f: {  	v55 =	vor.u32 $0x2F, v1;
	v54 =	vld.idx.msk [tilespmem:v46+s13+$0x0], $0xffff  }
0x120: {  	v56 =	vbroadcast v11, $0xB;
	v2 =	vadd.f32 v3, v2;
	v3 =	vmul.f32 v48, v53  }
0x121: {  	v58 =	vor.u32 $0x30, v1;
	v57 =	vld.idx.msk [tilespmem:v49+s13+$0x0], $0xffff  }
0x122: {  	v59 =	vbroadcast v11, $0xC;
	v2 =	vadd.f32 v3, v2;
	v3 =	vmul.f32 v51, v56  }
0x123: {  	v61 =	vor.u32 $0x31, v1;
	v60 =	vld.idx.msk [tilespmem:v52+s13+$0x0], $0xffff  }
0x124: {  	v16 =	vld [tilespmem:s26+$0x10];
	v62 =	vbroadcast v11, $0xD;
	v2 =	vadd.f32 v3, v2;
	v3 =	vmul.f32 v54, v59  }
0x125: {  	v17 =	vor.u32 $0x32, v1;
	v63 =	vld.idx.msk [tilespmem:v55+s13+$0x0], $0xffff  }
0x126: {  	v18 =	vbroadcast v11, $0xE;
	v2 =	vadd.f32 v3, v2;
	v3 =	vmul.f32 v57, v62  }
0x127: {  	v19 =	vld.idx.msk [tilespmem:v58+s13+$0x0], $0xffff;
	v20 =	vor.u32 $0x33, v1  }
0x128: {  	v21 =	vbroadcast v11, $0xF;
	v2 =	vadd.f32 v3, v2;
	v3 =	vmul.f32 v60, v18  }
0x129: {  	v22 =	vld.idx.msk [tilespmem:v61+s13+$0x0], $0xffff;
	v23 =	vor.u32 $0x34, v1  }
0x12a: {  	v24 =	vbroadcast v16, $0x0;
	v2 =	vadd.f32 v3, v2;
	v3 =	vmul.f32 v63, v21  }
0x12b: {  	v25 =	vld.idx.msk [tilespmem:v17+s13+$0x0], $0xffff;
	v26 =	vor.u32 $0x35, v1  }
0x12c: {  	v27 =	vbroadcast v16, $0x1;
	v2 =	vadd.f32 v3, v2;
	v3 =	vmul.f32 v24, v19  }
0x12d: {  	v28 =	vld.idx.msk [tilespmem:v20+s13+$0x0], $0xffff;
	v29 =	vor.u32 $0x36, v1  }
0x12e: {  	v30 =	vbroadcast v16, $0x2;
	v2 =	vadd.f32 v3, v2;
	v3 =	vmul.f32 v22, v27  }
0x12f: {  	v31 =	vld.idx.msk [tilespmem:v23+s13+$0x0], $0xffff;
	v32 =	vor.u32 $0x37, v1  }
0x130: {  	v33 =	vbroadcast v16, $0x3;
	v2 =	vadd.f32 v3, v2;
	v3 =	vmul.f32 v25, v30  }
0x131: {  	v34 =	vld.idx.msk [tilespmem:v26+s13+$0x0], $0xffff;
	v35 =	vor.u32 $0x38, v1  }
0x132: {  	v36 =	vbroadcast v16, $0x4;
	v2 =	vadd.f32 v3, v2;
	v3 =	vmul.f32 v28, v33  }
0x133: {  	v37 =	vld.idx.msk [tilespmem:v29+s13+$0x0], $0xffff;
	v38 =	vor.u32 $0x39, v1  }
0x134: {  	v39 =	vbroadcast v16, $0x5;
	v2 =	vadd.f32 v3, v2;
	v3 =	vmul.f32 v31, v36  }
0x135: {  	v40 =	vld.idx.msk [tilespmem:v32+s13+$0x0], $0xffff;
	v41 =	vor.u32 $0x3A, v1  }
0x136: {  	v42 =	vbroadcast v16, $0x6;
	v2 =	vadd.f32 v3, v2;
	v3 =	vmul.f32 v34, v39  }
0x137: {  	v43 =	vld.idx.msk [tilespmem:v35+s13+$0x0], $0xffff;
	v44 =	vor.u32 $0x3B, v1  }
0x138: {  	v45 =	vbroadcast v16, $0x7;
	v2 =	vadd.f32 v3, v2;
	v3 =	vmul.f32 v37, v42  }
0x139: {  	v46 =	vld.idx.msk [tilespmem:v38+s13+$0x0], $0xffff;
	v47 =	vor.u32 $0x3C, v1  }
0x13a: {  	v48 =	vbroadcast v16, $0x8;
	v2 =	vadd.f32 v3, v2;
	v3 =	vmul.f32 v40, v45  }
0x13b: {  	v49 =	vld.idx.msk [tilespmem:v41+s13+$0x0], $0xffff;
	v50 =	vor.u32 $0x3D, v1  }
0x13c: {  	v51 =	vbroadcast v16, $0x9;
	v2 =	vadd.f32 v3, v2;
	v3 =	vmul.f32 v43, v48  }
0x13d: {  	v52 =	vld.idx.msk [tilespmem:v44+s13+$0x0], $0xffff;
	v53 =	vor.u32 $0x3E, v1  }
0x13e: {  	v54 =	vbroadcast v16, $0xA;
	v2 =	vadd.f32 v3, v2;
	v3 =	vmul.f32 v46, v51  }
0x13f: {  	v1 =	vor.u32 $0x3F, v1;
	v55 =	vld.idx.msk [tilespmem:v47+s13+$0x0], $0xffff  }
0x140: {  	v56 =	vbroadcast v16, $0xB;
	v2 =	vadd.f32 v3, v2;
	v3 =	vmul.f32 v49, v54  }
0x141: {  	v57 =	vld.idx.msk [tilespmem:v50+s13+$0x0], $0xffff  }
0x142: {  	v58 =	vbroadcast v16, $0xC;
	v2 =	vadd.f32 v3, v2;
	v3 =	vmul.f32 v52, v56  }
0x143: {  	v59 =	vld.idx.msk [tilespmem:v53+s13+$0x0], $0xffff  }
0x144: {  	v60 =	vbroadcast v16, $0xD;
	v2 =	vadd.f32 v3, v2;
	v3 =	vmul.f32 v55, v58  }
0x145: {  	v1 =	vld.idx.msk [tilespmem:v1+s13+$0x0], $0xffff  }
0x146: {  	v61 =	vbroadcast v16, $0xE;
	v2 =	vadd.f32 v3, v2;
	v3 =	vmul.f32 v57, v60;
	_ =	sdelay $0x1  }
0x147: {  	s28 =	simm.s32 $0x8A10;
	v62 =	vbroadcast v16, $0xF;
	v2 =	vadd.f32 v3, v2;
	v3 =	vmul.f32 v59, v61  }
0x148: {  	v63 =	vld [tilespmem:s28+$0x0]  }
0x149: {  	v1 =	vmul.f32 v1, v62;
	v2 =	vadd.f32 v3, v2;
	_ =	sdelay $0x1  }
0x14a: {  	v1 =	vadd.f32 v1, v2;
	_ =	sdelay $0x1  }
0x14b: {  	v1 =	vadd.f32 v1, v63;
	_ =	sdelay $0x1  }
0x14c: {  	v1 =	vsub.f32 $0.0e+00, v1;
	_ =	sdelay $0x1  }
0x14d: {  	v1 =	vmul.f32 $1.442695020e+00, v1;
	_ =	sdelay $0x1  }
0x14e: {  	(erf) = vpow2.f32 v1;
	_ =	sdelay $0x8  }
0x14f: {  	v1 =	vpop (erf)  }
0x150: {  	v1 =	vadd.f32 $1.000000000e+00, v1;
	_ =	sdelay $0x1  }
0x151: {  	(erf) = vrcp.f32 v1;
	_ =	sdelay $0x3  }
0x152: {  	s29 =	simm.s32 $0x20  }
0x153: {  	v1 =	vmov s29;
	s29 =	simm.s32 $0x30  }
.LBB2_3:
0x154: {  	p0 =	sne.s32 s29, $0x1F0;
	v1 =	vshll.u32 v1, $0x6  }
0x155: {  	v1 =	vor.u32 v0, v1;
	_ =	sdelay $0x1  }
0x156: {  	s25 =	sadd.s32 $0x10, s25;
	v2 =	vor.u32 $0x1, v1;
	v3 =	vpop (erf)  }
0x157: {  	s26 =	sadd.s32 $0x40, s26;
	[tilespmem:s25+$0x0] =	vst v3  }
0x158: {  	v4 =	vor.u32 $0x2, v1;
	v3 =	vld [tilespmem:s26+$0xFFFFFFE0]  }
0x159: {  	v5 =	vld.idx.msk [tilespmem:v1+s13+$0x0], $0xffff  }
0x15a: {  	v6 =	vor.u32 $0x3, v1  }
0x15b: {  	v2 =	vld.idx.msk [tilespmem:v2+s13+$0x0], $0xffff  }
0x15c: {  	v7 =	vor.u32 $0x4, v1  }
0x15d: {  	v8 =	vbroadcast v3, $0x0;
	v4 =	vld.idx.msk [tilespmem:v4+s13+$0x0], $0xffff  }
0x15e: {  	v9 =	vor.u32 $0x5, v1  }
0x15f: {  	v5 =	vmul.f32 v8, v5;
	v8 =	vbroadcast v3, $0x1;
	v6 =	vld.idx.msk [tilespmem:v6+s13+$0x0], $0xffff  }
0x160: {  	v10 =	vor.u32 $0x6, v1  }
0x161: {  	v5 =	vadd.f32 $0.0e+00, v5;
	v2 =	vmul.f32 v2, v8;
	v8 =	vbroadcast v3, $0x2;
	v7 =	vld.idx.msk [tilespmem:v7+s13+$0x0], $0xffff  }
0x162: {  	v11 =	vor.u32 $0x7, v1  }
0x163: {  	v2 =	vadd.f32 v2, v5;
	v4 =	vmul.f32 v4, v8;
	v5 =	vbroadcast v3, $0x3;
	v8 =	vld.idx.msk [tilespmem:v9+s13+$0x0], $0xffff  }
0x164: {  	v9 =	vor.u32 $0x8, v1  }
0x165: {  	v2 =	vadd.f32 v4, v2;
	v4 =	vmul.f32 v6, v5;
	v5 =	vbroadcast v3, $0x4;
	v6 =	vld.idx.msk [tilespmem:v10+s13+$0x0], $0xffff  }
0x166: {  	v10 =	vor.u32 $0x9, v1  }
0x167: {  	v2 =	vadd.f32 v4, v2;
	v4 =	vmul.f32 v7, v5;
	v5 =	vbroadcast v3, $0x5;
	v7 =	vld.idx.msk [tilespmem:v11+s13+$0x0], $0xffff  }
0x168: {  	v11 =	vor.u32 $0xA, v1  }
0x169: {  	v2 =	vadd.f32 v4, v2;
	v4 =	vmul.f32 v8, v5;
	v5 =	vbroadcast v3, $0x6;
	v8 =	vld.idx.msk [tilespmem:v9+s13+$0x0], $0xffff  }
0x16a: {  	v9 =	vor.u32 $0xB, v1  }
0x16b: {  	v2 =	vadd.f32 v4, v2;
	v4 =	vmul.f32 v6, v5;
	v5 =	vbroadcast v3, $0x7;
	v6 =	vld.idx.msk [tilespmem:v10+s13+$0x0], $0xffff  }
0x16c: {  	v10 =	vor.u32 $0xC, v1  }
0x16d: {  	v2 =	vadd.f32 v4, v2;
	v4 =	vmul.f32 v7, v5;
	v5 =	vbroadcast v3, $0x8;
	v7 =	vld.idx.msk [tilespmem:v11+s13+$0x0], $0xffff  }
0x16e: {  	v11 =	vor.u32 $0xD, v1  }
0x16f: {  	v2 =	vadd.f32 v4, v2;
	v4 =	vmul.f32 v8, v5;
	v5 =	vbroadcast v3, $0x9;
	v8 =	vld.idx.msk [tilespmem:v9+s13+$0x0], $0xffff  }
0x170: {  	v9 =	vor.u32 $0xE, v1  }
0x171: {  	v2 =	vadd.f32 v4, v2;
	v4 =	vmul.f32 v6, v5;
	v5 =	vbroadcast v3, $0xA;
	v6 =	vld.idx.msk [tilespmem:v10+s13+$0x0], $0xffff  }
0x172: {  	v10 =	vor.u32 $0xF, v1  }
0x173: {  	v2 =	vadd.f32 v4, v2;
	v4 =	vmul.f32 v7, v5;
	v5 =	vbroadcast v3, $0xB;
	v7 =	vld.idx.msk [tilespmem:v11+s13+$0x0], $0xffff  }
0x174: {  	v11 =	vor.u32 $0x10, v1  }
0x175: {  	v2 =	vadd.f32 v4, v2;
	v4 =	vmul.f32 v8, v5;
	v5 =	vbroadcast v3, $0xC;
	v8 =	vld.idx.msk [tilespmem:v9+s13+$0x0], $0xffff  }
0x176: {  	v9 =	vor.u32 $0x11, v1  }
0x177: {  	v2 =	vadd.f32 v4, v2;
	v4 =	vmul.f32 v6, v5;
	v5 =	vbroadcast v3, $0xD;
	v6 =	vld.idx.msk [tilespmem:v10+s13+$0x0], $0xffff  }
0x178: {  	v12 =	vor.u32 $0x12, v1;
	v10 =	vld [tilespmem:s26+$0xFFFFFFF0]  }
0x179: {  	v2 =	vadd.f32 v4, v2;
	v4 =	vmul.f32 v7, v5;
	v5 =	vbroadcast v3, $0xE;
	v7 =	vld.idx.msk [tilespmem:v11+s13+$0x0], $0xffff  }
0x17a: {  	v11 =	vor.u32 $0x13, v1  }
0x17b: {  	v3 =	vbroadcast v3, $0xF;
	v2 =	vadd.f32 v4, v2;
	v4 =	vmul.f32 v8, v5;
	v5 =	vld.idx.msk [tilespmem:v9+s13+$0x0], $0xffff  }
0x17c: {  	v8 =	vor.u32 $0x14, v1  }
0x17d: {  	v3 =	vmul.f32 v6, v3;
	v2 =	vadd.f32 v4, v2;
	v4 =	vbroadcast v10, $0x0;
	v6 =	vld.idx.msk [tilespmem:v12+s13+$0x0], $0xffff  }
0x17e: {  	v9 =	vor.u32 $0x15, v1  }
0x17f: {  	v2 =	vadd.f32 v3, v2;
	v3 =	vmul.f32 v4, v7;
	v4 =	vbroadcast v10, $0x1;
	v7 =	vld.idx.msk [tilespmem:v11+s13+$0x0], $0xffff  }
0x180: {  	v11 =	vor.u32 $0x16, v1  }
0x181: {  	v2 =	vadd.f32 v3, v2;
	v3 =	vmul.f32 v5, v4;
	v4 =	vbroadcast v10, $0x2;
	v5 =	vld.idx.msk [tilespmem:v8+s13+$0x0], $0xffff  }
0x182: {  	v8 =	vor.u32 $0x17, v1  }
0x183: {  	v2 =	vadd.f32 v3, v2;
	v3 =	vmul.f32 v6, v4;
	v4 =	vbroadcast v10, $0x3;
	v6 =	vld.idx.msk [tilespmem:v9+s13+$0x0], $0xffff  }
0x184: {  	v9 =	vor.u32 $0x18, v1  }
0x185: {  	v2 =	vadd.f32 v3, v2;
	v3 =	vmul.f32 v7, v4;
	v4 =	vbroadcast v10, $0x4;
	v7 =	vld.idx.msk [tilespmem:v11+s13+$0x0], $0xffff  }
0x186: {  	v11 =	vor.u32 $0x19, v1  }
0x187: {  	v2 =	vadd.f32 v3, v2;
	v3 =	vmul.f32 v5, v4;
	v4 =	vbroadcast v10, $0x5;
	v5 =	vld.idx.msk [tilespmem:v8+s13+$0x0], $0xffff  }
0x188: {  	v8 =	vor.u32 $0x1A, v1  }
0x189: {  	v2 =	vadd.f32 v3, v2;
	v3 =	vmul.f32 v6, v4;
	v4 =	vbroadcast v10, $0x6;
	v6 =	vld.idx.msk [tilespmem:v9+s13+$0x0], $0xffff  }
0x18a: {  	v9 =	vor.u32 $0x1B, v1  }
0x18b: {  	v2 =	vadd.f32 v3, v2;
	v3 =	vmul.f32 v7, v4;
	v4 =	vbroadcast v10, $0x7;
	v7 =	vld.idx.msk [tilespmem:v11+s13+$0x0], $0xffff  }
0x18c: {  	v11 =	vor.u32 $0x1C, v1  }
0x18d: {  	v2 =	vadd.f32 v3, v2;
	v3 =	vmul.f32 v5, v4;
	v4 =	vbroadcast v10, $0x8;
	v5 =	vld.idx.msk [tilespmem:v8+s13+$0x0], $0xffff  }
0x18e: {  	v8 =	vor.u32 $0x1D, v1  }
0x18f: {  	v2 =	vadd.f32 v3, v2;
	v3 =	vmul.f32 v6, v4;
	v4 =	vbroadcast v10, $0x9;
	v6 =	vld.idx.msk [tilespmem:v9+s13+$0x0], $0xffff  }
0x190: {  	v9 =	vor.u32 $0x1E, v1  }
0x191: {  	v2 =	vadd.f32 v3, v2;
	v3 =	vmul.f32 v7, v4;
	v4 =	vbroadcast v10, $0xA;
	v7 =	vld.idx.msk [tilespmem:v11+s13+$0x0], $0xffff  }
0x192: {  	v11 =	vor.u32 $0x1F, v1  }
0x193: {  	v2 =	vadd.f32 v3, v2;
	v3 =	vmul.f32 v5, v4;
	v4 =	vbroadcast v10, $0xB;
	v5 =	vld.idx.msk [tilespmem:v8+s13+$0x0], $0xffff  }
0x194: {  	v8 =	vor.u32 $0x20, v1  }
0x195: {  	v2 =	vadd.f32 v3, v2;
	v3 =	vmul.f32 v6, v4;
	v4 =	vbroadcast v10, $0xC;
	v6 =	vld.idx.msk [tilespmem:v9+s13+$0x0], $0xffff  }
0x196: {  	v9 =	vor.u32 $0x21, v1  }
0x197: {  	v2 =	vadd.f32 v3, v2;
	v3 =	vmul.f32 v7, v4;
	v4 =	vbroadcast v10, $0xD;
	v7 =	vld.idx.msk [tilespmem:v11+s13+$0x0], $0xffff  }
0x198: {  	v12 =	vor.u32 $0x22, v1;
	v11 =	vld [tilespmem:s26+$0x0]  }
0x199: {  	v2 =	vadd.f32 v3, v2;
	v3 =	vmul.f32 v5, v4;
	v4 =	vbroadcast v10, $0xE;
	v5 =	vld.idx.msk [tilespmem:v8+s13+$0x0], $0xffff  }
0x19a: {  	v8 =	vor.u32 $0x23, v1  }
0x19b: {  	v2 =	vadd.f32 v3, v2;
	v3 =	vmul.f32 v6, v4;
	v4 =	vbroadcast v10, $0xF;
	v6 =	vld.idx.msk [tilespmem:v9+s13+$0x0], $0xffff  }
0x19c: {  	v9 =	vor.u32 $0x24, v1  }
0x19d: {  	v2 =	vadd.f32 v3, v2;
	v3 =	vmul.f32 v7, v4;
	v4 =	vbroadcast v11, $0x0;
	v7 =	vld.idx.msk [tilespmem:v12+s13+$0x0], $0xffff  }
0x19e: {  	v10 =	vor.u32 $0x25, v1  }
0x19f: {  	v2 =	vadd.f32 v3, v2;
	v3 =	vmul.f32 v4, v5;
	v4 =	vbroadcast v11, $0x1;
	v5 =	vld.idx.msk [tilespmem:v8+s13+$0x0], $0xffff  }
0x1a0: {  	v8 =	vor.u32 $0x26, v1  }
0x1a1: {  	v2 =	vadd.f32 v3, v2;
	v3 =	vmul.f32 v6, v4;
	v4 =	vbroadcast v11, $0x2;
	v6 =	vld.idx.msk [tilespmem:v9+s13+$0x0], $0xffff  }
0x1a2: {  	v9 =	vor.u32 $0x27, v1  }
0x1a3: {  	v2 =	vadd.f32 v3, v2;
	v3 =	vmul.f32 v7, v4;
	v4 =	vbroadcast v11, $0x3;
	v7 =	vld.idx.msk [tilespmem:v10+s13+$0x0], $0xffff  }
0x1a4: {  	v10 =	vor.u32 $0x28, v1  }
0x1a5: {  	v2 =	vadd.f32 v3, v2;
	v3 =	vmul.f32 v5, v4;
	v4 =	vbroadcast v11, $0x4;
	v5 =	vld.idx.msk [tilespmem:v8+s13+$0x0], $0xffff  }
0x1a6: {  	v8 =	vor.u32 $0x29, v1  }
0x1a7: {  	v2 =	vadd.f32 v3, v2;
	v3 =	vmul.f32 v6, v4;
	v4 =	vbroadcast v11, $0x5;
	v6 =	vld.idx.msk [tilespmem:v9+s13+$0x0], $0xffff  }
0x1a8: {  	v9 =	vor.u32 $0x2A, v1  }
0x1a9: {  	v2 =	vadd.f32 v3, v2;
	v3 =	vmul.f32 v7, v4;
	v4 =	vbroadcast v11, $0x6;
	v7 =	vld.idx.msk [tilespmem:v10+s13+$0x0], $0xffff  }
0x1aa: {  	v10 =	vor.u32 $0x2B, v1  }
0x1ab: {  	v2 =	vadd.f32 v3, v2;
	v3 =	vmul.f32 v5, v4;
	v4 =	vbroadcast v11, $0x7;
	v5 =	vld.idx.msk [tilespmem:v8+s13+$0x0], $0xffff  }
0x1ac: {  	v8 =	vor.u32 $0x2C, v1  }
0x1ad: {  	v2 =	vadd.f32 v3, v2;
	v3 =	vmul.f32 v6, v4;
	v4 =	vbroadcast v11, $0x8;
	v6 =	vld.idx.msk [tilespmem:v9+s13+$0x0], $0xffff  }
0x1ae: {  	v9 =	vor.u32 $0x2D, v1  }
0x1af: {  	v2 =	vadd.f32 v3, v2;
	v3 =	vmul.f32 v7, v4;
	v4 =	vbroadcast v11, $0x9;
	v7 =	vld.idx.msk [tilespmem:v10+s13+$0x0], $0xffff  }
0x1b0: {  	v10 =	vor.u32 $0x2E, v1  }
0x1b1: {  	v2 =	vadd.f32 v3, v2;
	v3 =	vmul.f32 v5, v4;
	v4 =	vbroadcast v11, $0xA;
	v5 =	vld.idx.msk [tilespmem:v8+s13+$0x0], $0xffff  }
0x1b2: {  	v8 =	vor.u32 $0x2F, v1  }
0x1b3: {  	v2 =	vadd.f32 v3, v2;
	v3 =	vmul.f32 v6, v4;
	v4 =	vbroadcast v11, $0xB;
	v6 =	vld.idx.msk [tilespmem:v9+s13+$0x0], $0xffff  }
0x1b4: {  	v9 =	vor.u32 $0x30, v1  }
0x1b5: {  	v2 =	vadd.f32 v3, v2;
	v3 =	vmul.f32 v7, v4;
	v4 =	vbroadcast v11, $0xC;
	v7 =	vld.idx.msk [tilespmem:v10+s13+$0x0], $0xffff  }
0x1b6: {  	v10 =	vor.u32 $0x31, v1  }
0x1b7: {  	v2 =	vadd.f32 v3, v2;
	v3 =	vmul.f32 v5, v4;
	v4 =	vbroadcast v11, $0xD;
	v5 =	vld.idx.msk [tilespmem:v8+s13+$0x0], $0xffff  }
0x1b8: {  	v12 =	vor.u32 $0x32, v1;
	v8 =	vld [tilespmem:s26+$0x10]  }
0x1b9: {  	v2 =	vadd.f32 v3, v2;
	v3 =	vmul.f32 v6, v4;
	v4 =	vbroadcast v11, $0xE;
	v6 =	vld.idx.msk [tilespmem:v9+s13+$0x0], $0xffff  }
0x1ba: {  	v9 =	vor.u32 $0x33, v1  }
0x1bb: {  	v2 =	vadd.f32 v3, v2;
	v3 =	vmul.f32 v7, v4;
	v4 =	vbroadcast v11, $0xF;
	v7 =	vld.idx.msk [tilespmem:v10+s13+$0x0], $0xffff  }
0x1bc: {  	v10 =	vor.u32 $0x34, v1  }
0x1bd: {  	v2 =	vadd.f32 v3, v2;
	v3 =	vmul.f32 v5, v4;
	v4 =	vbroadcast v8, $0x0;
	v5 =	vld.idx.msk [tilespmem:v12+s13+$0x0], $0xffff  }
0x1be: {  	v11 =	vor.u32 $0x35, v1  }
0x1bf: {  	v2 =	vadd.f32 v3, v2;
	v3 =	vmul.f32 v4, v6;
	v4 =	vbroadcast v8, $0x1;
	v6 =	vld.idx.msk [tilespmem:v9+s13+$0x0], $0xffff  }
0x1c0: {  	v9 =	vor.u32 $0x36, v1  }
0x1c1: {  	v2 =	vadd.f32 v3, v2;
	v3 =	vmul.f32 v7, v4;
	v4 =	vbroadcast v8, $0x2;
	v7 =	vld.idx.msk [tilespmem:v10+s13+$0x0], $0xffff  }
0x1c2: {  	v10 =	vor.u32 $0x37, v1  }
0x1c3: {  	v2 =	vadd.f32 v3, v2;
	v3 =	vmul.f32 v5, v4;
	v4 =	vbroadcast v8, $0x3;
	v5 =	vld.idx.msk [tilespmem:v11+s13+$0x0], $0xffff  }
0x1c4: {  	v11 =	vor.u32 $0x38, v1  }
0x1c5: {  	v2 =	vadd.f32 v3, v2;
	v3 =	vmul.f32 v6, v4;
	v4 =	vbroadcast v8, $0x4;
	v6 =	vld.idx.msk [tilespmem:v9+s13+$0x0], $0xffff  }
0x1c6: {  	v9 =	vor.u32 $0x39, v1  }
0x1c7: {  	v2 =	vadd.f32 v3, v2;
	v3 =	vmul.f32 v7, v4;
	v4 =	vbroadcast v8, $0x5;
	v7 =	vld.idx.msk [tilespmem:v10+s13+$0x0], $0xffff  }
0x1c8: {  	v10 =	vor.u32 $0x3A, v1  }
0x1c9: {  	v2 =	vadd.f32 v3, v2;
	v3 =	vmul.f32 v5, v4;
	v4 =	vbroadcast v8, $0x6;
	v5 =	vld.idx.msk [tilespmem:v11+s13+$0x0], $0xffff  }
0x1ca: {  	v11 =	vor.u32 $0x3B, v1  }
0x1cb: {  	v2 =	vadd.f32 v3, v2;
	v3 =	vmul.f32 v6, v4;
	v4 =	vbroadcast v8, $0x7;
	v6 =	vld.idx.msk [tilespmem:v9+s13+$0x0], $0xffff  }
0x1cc: {  	v9 =	vor.u32 $0x3C, v1  }
0x1cd: {  	v2 =	vadd.f32 v3, v2;
	v3 =	vmul.f32 v7, v4;
	v4 =	vbroadcast v8, $0x8;
	v7 =	vld.idx.msk [tilespmem:v10+s13+$0x0], $0xffff  }
0x1ce: {  	v10 =	vor.u32 $0x3D, v1  }
0x1cf: {  	v2 =	vadd.f32 v3, v2;
	v3 =	vmul.f32 v5, v4;
	v4 =	vbroadcast v8, $0x9;
	v5 =	vld.idx.msk [tilespmem:v11+s13+$0x0], $0xffff  }
0x1d0: {  	v11 =	vor.u32 $0x3E, v1  }
0x1d1: {  	v2 =	vadd.f32 v3, v2;
	v3 =	vmul.f32 v6, v4;
	v4 =	vbroadcast v8, $0xA;
	v6 =	vld.idx.msk [tilespmem:v9+s13+$0x0], $0xffff  }
0x1d2: {  	v1 =	vor.u32 $0x3F, v1  }
0x1d3: {  	v2 =	vadd.f32 v3, v2;
	v3 =	vmul.f32 v7, v4;
	v4 =	vbroadcast v8, $0xB;
	v7 =	vld.idx.msk [tilespmem:v10+s13+$0x0], $0xffff;
	_ =	sdelay $0x1  }
0x1d4: {  	v2 =	vadd.f32 v3, v2;
	v3 =	vmul.f32 v5, v4;
	v4 =	vbroadcast v8, $0xC;
	v5 =	vld.idx.msk [tilespmem:v11+s13+$0x0], $0xffff;
	_ =	sdelay $0x1  }
0x1d5: {  	v2 =	vadd.f32 v3, v2;
	v3 =	vmul.f32 v6, v4;
	v4 =	vbroadcast v8, $0xD;
	v1 =	vld.idx.msk [tilespmem:v1+s13+$0x0], $0xffff;
	_ =	sdelay $0x1  }
0x1d6: {  	v2 =	vadd.f32 v3, v2;
	v3 =	vmul.f32 v7, v4;
	v4 =	vbroadcast v8, $0xE;
	_ =	sdelay $0x1  }
0x1d7: {  	s28 =	sadd.s32 $0x10, s28;
	v2 =	vadd.f32 v3, v2;
	v3 =	vmul.f32 v5, v4;
	v4 =	vbroadcast v8, $0xF  }
0x1d8: {  	v5 =	vld [tilespmem:s28+$0x0]  }
0x1d9: {  	v2 =	vadd.f32 v3, v2;
	v1 =	vmul.f32 v1, v4;
	_ =	sdelay $0x1  }
0x1da: {  	v1 =	vadd.f32 v1, v2;
	_ =	sdelay $0x1  }
0x1db: {  	v1 =	vadd.f32 v1, v5;
	_ =	sdelay $0x1  }
0x1dc: {  	v1 =	vsub.f32 $0.0e+00, v1;
	_ =	sdelay $0x1  }
0x1dd: {  	v1 =	vmul.f32 $1.442695020e+00, v1;
	_ =	sdelay $0x1  }
0x1de: {  	(erf) = vpow2.f32 v1;
	_ =	sdelay $0x8  }
0x1df: {  	v1 =	vpop (erf)  }
0x1e0: {  	v1 =	vadd.f32 $1.000000000e+00, v1;
	_ =	sdelay $0x1  }
0x1e1: {  	(erf) = vrcp.f32 v1  }
.Ltmp0:
0x1e2: {  	(pc) =	sbr.rel @p0 .LBB2_3-.Ltmp0, $2  }
0x1e3: {  	_ =	sdelay $0x2  }
0x1e4: {  	v1 =	vmov s29;
	s29 =	sadd.s32 $0x10, s29  }
0x1e5: {  	_ = 	snop  }
0x1e6: {  	v1 =	vshll.u32 v1, $0x6  }
0x1e7: {  	v1 =	vor.u32 v0, v1  }
0x1e8: {  	s25 =	sadd.s32 $0x10, s25;
	v2 =	vpop (erf)  }
0x1e9: {  	s26 =	sadd.s32 $0x40, s26;
	v3 =	vor.u32 $0x1, v1;
	[tilespmem:s25+$0x0] =	vst v2  }
0x1ea: {  	v2 =	vld [tilespmem:s26+$0xFFFFFFE0]  }
0x1eb: {  	v4 =	vor.u32 $0x2, v1  }
0x1ec: {  	v5 =	vld.idx.msk [tilespmem:v1+s13+$0x0], $0xffff  }
0x1ed: {  	v6 =	vor.u32 $0x3, v1  }
0x1ee: {  	v3 =	vld.idx.msk [tilespmem:v3+s13+$0x0], $0xffff  }
0x1ef: {  	v7 =	vor.u32 $0x4, v1;
	v8 =	vbroadcast v2, $0x0  }
0x1f0: {  	v4 =	vld.idx.msk [tilespmem:v4+s13+$0x0], $0xffff  }
0x1f1: {  	v9 =	vor.u32 $0x5, v1;
	v20 =	vbroadcast v2, $0x1;
	v5 =	vmul.f32 v8, v5  }
0x1f2: {  	v10 =	vor.u32 $0x6, v1;
	v6 =	vld.idx.msk [tilespmem:v6+s13+$0x0], $0xffff  }
0x1f3: {  	v21 =	vbroadcast v2, $0x2;
	v3 =	vmul.f32 v3, v20;
	v5 =	vadd.f32 $0.0e+00, v5  }
0x1f4: {  	v11 =	vor.u32 $0x7, v1;
	v7 =	vld.idx.msk [tilespmem:v7+s13+$0x0], $0xffff  }
0x1f5: {  	v22 =	vbroadcast v2, $0x3;
	v4 =	vmul.f32 v4, v21;
	v3 =	vadd.f32 v3, v5  }
0x1f6: {  	v24 =	vor.u32 $0x8, v1;
	v23 =	vld.idx.msk [tilespmem:v9+s13+$0x0], $0xffff  }
0x1f7: {  	v26 =	vbroadcast v2, $0x4;
	v25 =	vmul.f32 v6, v22;
	v3 =	vadd.f32 v4, v3  }
0x1f8: {  	v28 =	vor.u32 $0x9, v1;
	v27 =	vld.idx.msk [tilespmem:v10+s13+$0x0], $0xffff  }
0x1f9: {  	v30 =	vbroadcast v2, $0x5;
	v29 =	vmul.f32 v7, v26;
	v3 =	vadd.f32 v25, v3  }
0x1fa: {  	v32 =	vor.u32 $0xA, v1;
	v31 =	vld.idx.msk [tilespmem:v11+s13+$0x0], $0xffff  }
0x1fb: {  	v34 =	vbroadcast v2, $0x6;
	v33 =	vmul.f32 v23, v30;
	v3 =	vadd.f32 v29, v3  }
0x1fc: {  	v36 =	vor.u32 $0xB, v1;
	v35 =	vld.idx.msk [tilespmem:v24+s13+$0x0], $0xffff  }
0x1fd: {  	v38 =	vbroadcast v2, $0x7;
	v37 =	vmul.f32 v27, v34;
	v3 =	vadd.f32 v33, v3  }
0x1fe: {  	v40 =	vor.u32 $0xC, v1;
	v39 =	vld.idx.msk [tilespmem:v28+s13+$0x0], $0xffff  }
0x1ff: {  	v42 =	vbroadcast v2, $0x8;
	v41 =	vmul.f32 v31, v38;
	v3 =	vadd.f32 v37, v3  }
0x200: {  	v44 =	vor.u32 $0xD, v1;
	v43 =	vld.idx.msk [tilespmem:v32+s13+$0x0], $0xffff  }
0x201: {  	v46 =	vbroadcast v2, $0x9;
	v45 =	vmul.f32 v35, v42;
	v3 =	vadd.f32 v41, v3  }
0x202: {  	v48 =	vor.u32 $0xE, v1;
	v47 =	vld.idx.msk [tilespmem:v36+s13+$0x0], $0xffff  }
0x203: {  	v50 =	vbroadcast v2, $0xA;
	v49 =	vmul.f32 v39, v46;
	v3 =	vadd.f32 v45, v3  }
0x204: {  	v52 =	vor.u32 $0xF, v1;
	v51 =	vld.idx.msk [tilespmem:v40+s13+$0x0], $0xffff  }
0x205: {  	v54 =	vbroadcast v2, $0xB;
	v53 =	vmul.f32 v43, v50;
	v3 =	vadd.f32 v49, v3  }
0x206: {  	v56 =	vor.u32 $0x10, v1;
	v55 =	vld.idx.msk [tilespmem:v44+s13+$0x0], $0xffff  }
0x207: {  	v58 =	vbroadcast v2, $0xC;
	v57 =	vmul.f32 v47, v54;
	v3 =	vadd.f32 v53, v3  }
0x208: {  	v60 =	vor.u32 $0x11, v1;
	v59 =	vld.idx.msk [tilespmem:v48+s13+$0x0], $0xffff  }
0x209: {  	v63 =	vld.idx.msk [tilespmem:v52+s13+$0x0], $0xffff;
	v62 =	vbroadcast v2, $0xD;
	v61 =	vmul.f32 v51, v58;
	v3 =	vadd.f32 v57, v3  }
0x20a: {  	v12 =	vor.u32 $0x12, v1;
	v10 =	vld [tilespmem:s26+$0xFFFFFFF0]  }
0x20b: {  	v17 =	vbroadcast v2, $0xE;
	v16 =	vmul.f32 v55, v62;
	v3 =	vadd.f32 v61, v3  }
0x20c: {  	v19 =	vor.u32 $0x13, v1;
	v18 =	vld.idx.msk [tilespmem:v56+s13+$0x0], $0xffff  }
0x20d: {  	v2 =	vbroadcast v2, $0xF;
	v20 =	vmul.f32 v59, v17;
	v3 =	vadd.f32 v16, v3  }
0x20e: {  	v21 =	vld.idx.msk [tilespmem:v60+s13+$0x0], $0xffff;
	v22 =	vor.u32 $0x14, v1  }
0x20f: {  	v2 =	vmul.f32 v63, v2;
	v23 =	vbroadcast v10, $0x0;
	v3 =	vadd.f32 v20, v3  }
0x210: {  	v24 =	vld.idx.msk [tilespmem:v12+s13+$0x0], $0xffff;
	v26 =	vbroadcast v10, $0x1  }
0x211: {  	v25 =	vor.u32 $0x15, v1;
	v2 =	vadd.f32 v2, v3;
	v3 =	vmul.f32 v23, v18  }
0x212: {  	v28 =	vor.u32 $0x16, v1;
	v27 =	vld.idx.msk [tilespmem:v19+s13+$0x0], $0xffff  }
0x213: {  	v29 =	vbroadcast v10, $0x2;
	v2 =	vadd.f32 v3, v2;
	v3 =	vmul.f32 v21, v26  }
0x214: {  	v31 =	vor.u32 $0x17, v1;
	v30 =	vld.idx.msk [tilespmem:v22+s13+$0x0], $0xffff  }
0x215: {  	v32 =	vbroadcast v10, $0x3;
	v2 =	vadd.f32 v3, v2;
	v3 =	vmul.f32 v24, v29  }
0x216: {  	v34 =	vor.u32 $0x18, v1;
	v33 =	vld.idx.msk [tilespmem:v25+s13+$0x0], $0xffff  }
0x217: {  	v35 =	vbroadcast v10, $0x4;
	v2 =	vadd.f32 v3, v2;
	v3 =	vmul.f32 v27, v32  }
0x218: {  	v36 =	vld.idx.msk [tilespmem:v28+s13+$0x0], $0xffff;
	v38 =	vbroadcast v10, $0x5  }
0x219: {  	v37 =	vor.u32 $0x19, v1;
	v2 =	vadd.f32 v3, v2;
	v3 =	vmul.f32 v30, v35  }
0x21a: {  	v40 =	vor.u32 $0x1A, v1;
	v39 =	vld.idx.msk [tilespmem:v31+s13+$0x0], $0xffff  }
0x21b: {  	v41 =	vbroadcast v10, $0x6;
	v2 =	vadd.f32 v3, v2;
	v3 =	vmul.f32 v33, v38  }
0x21c: {  	v43 =	vor.u32 $0x1B, v1;
	v42 =	vld.idx.msk [tilespmem:v34+s13+$0x0], $0xffff  }
0x21d: {  	v44 =	vbroadcast v10, $0x7;
	v2 =	vadd.f32 v3, v2;
	v3 =	vmul.f32 v36, v41  }
0x21e: {  	v46 =	vor.u32 $0x1C, v1;
	v45 =	vld.idx.msk [tilespmem:v37+s13+$0x0], $0xffff  }
0x21f: {  	v47 =	vbroadcast v10, $0x8;
	v2 =	vadd.f32 v3, v2;
	v3 =	vmul.f32 v39, v44  }
0x220: {  	v48 =	vld.idx.msk [tilespmem:v40+s13+$0x0], $0xffff;
	v50 =	vbroadcast v10, $0x9  }
0x221: {  	v49 =	vor.u32 $0x1D, v1;
	v2 =	vadd.f32 v3, v2;
	v3 =	vmul.f32 v42, v47  }
0x222: {  	v52 =	vor.u32 $0x1E, v1;
	v51 =	vld.idx.msk [tilespmem:v43+s13+$0x0], $0xffff  }
0x223: {  	v53 =	vbroadcast v10, $0xA;
	v2 =	vadd.f32 v3, v2;
	v3 =	vmul.f32 v45, v50  }
0x224: {  	v55 =	vor.u32 $0x1F, v1;
	v54 =	vld.idx.msk [tilespmem:v46+s13+$0x0], $0xffff  }
0x225: {  	v56 =	vbroadcast v10, $0xB;
	v2 =	vadd.f32 v3, v2;
	v3 =	vmul.f32 v48, v53  }
0x226: {  	v58 =	vor.u32 $0x20, v1;
	v57 =	vld.idx.msk [tilespmem:v49+s13+$0x0], $0xffff  }
0x227: {  	v59 =	vbroadcast v10, $0xC;
	v2 =	vadd.f32 v3, v2;
	v3 =	vmul.f32 v51, v56  }
0x228: {  	v60 =	vld.idx.msk [tilespmem:v52+s13+$0x0], $0xffff;
	v62 =	vbroadcast v10, $0xD  }
0x229: {  	v11 =	vld [tilespmem:s26+$0x0];
	v61 =	vor.u32 $0x21, v1;
	v2 =	vadd.f32 v3, v2;
	v3 =	vmul.f32 v54, v59  }
0x22a: {  	v17 =	vbroadcast v10, $0xE;
	v63 =	vld.idx.msk [tilespmem:v55+s13+$0x0], $0xffff  }
0x22b: {  	v16 =	vor.u32 $0x22, v1;
	v2 =	vadd.f32 v3, v2;
	v3 =	vmul.f32 v57, v62  }
0x22c: {  	v19 =	vor.u32 $0x23, v1;
	v18 =	vld.idx.msk [tilespmem:v58+s13+$0x0], $0xffff  }
0x22d: {  	v20 =	vbroadcast v10, $0xF;
	v2 =	vadd.f32 v3, v2;
	v3 =	vmul.f32 v60, v17  }
0x22e: {  	v22 =	vor.u32 $0x24, v1;
	v21 =	vld.idx.msk [tilespmem:v61+s13+$0x0], $0xffff  }
0x22f: {  	v23 =	vbroadcast v11, $0x0;
	v2 =	vadd.f32 v3, v2;
	v3 =	vmul.f32 v63, v20  }
0x230: {  	v25 =	vor.u32 $0x25, v1;
	v24 =	vld.idx.msk [tilespmem:v16+s13+$0x0], $0xffff  }
0x231: {  	v26 =	vbroadcast v11, $0x1;
	v2 =	vadd.f32 v3, v2;
	v3 =	vmul.f32 v23, v18  }
0x232: {  	v28 =	vor.u32 $0x26, v1;
	v27 =	vld.idx.msk [tilespmem:v19+s13+$0x0], $0xffff  }
0x233: {  	v29 =	vbroadcast v11, $0x2;
	v2 =	vadd.f32 v3, v2;
	v3 =	vmul.f32 v21, v26  }
0x234: {  	v31 =	vor.u32 $0x27, v1;
	v30 =	vld.idx.msk [tilespmem:v22+s13+$0x0], $0xffff  }
0x235: {  	v32 =	vbroadcast v11, $0x3;
	v2 =	vadd.f32 v3, v2;
	v3 =	vmul.f32 v24, v29  }
0x236: {  	v34 =	vor.u32 $0x28, v1;
	v33 =	vld.idx.msk [tilespmem:v25+s13+$0x0], $0xffff  }
0x237: {  	v35 =	vbroadcast v11, $0x4;
	v2 =	vadd.f32 v3, v2;
	v3 =	vmul.f32 v27, v32  }
0x238: {  	v37 =	vor.u32 $0x29, v1;
	v36 =	vld.idx.msk [tilespmem:v28+s13+$0x0], $0xffff  }
0x239: {  	v38 =	vbroadcast v11, $0x5;
	v2 =	vadd.f32 v3, v2;
	v3 =	vmul.f32 v30, v35  }
0x23a: {  	v40 =	vor.u32 $0x2A, v1;
	v39 =	vld.idx.msk [tilespmem:v31+s13+$0x0], $0xffff  }
0x23b: {  	v41 =	vbroadcast v11, $0x6;
	v2 =	vadd.f32 v3, v2;
	v3 =	vmul.f32 v33, v38  }
0x23c: {  	v43 =	vor.u32 $0x2B, v1;
	v42 =	vld.idx.msk [tilespmem:v34+s13+$0x0], $0xffff  }
0x23d: {  	v44 =	vbroadcast v11, $0x7;
	v2 =	vadd.f32 v3, v2;
	v3 =	vmul.f32 v36, v41  }
0x23e: {  	v46 =	vor.u32 $0x2C, v1;
	v45 =	vld.idx.msk [tilespmem:v37+s13+$0x0], $0xffff  }
0x23f: {  	v47 =	vbroadcast v11, $0x8;
	v2 =	vadd.f32 v3, v2;
	v3 =	vmul.f32 v39, v44  }
0x240: {  	v49 =	vor.u32 $0x2D, v1;
	v48 =	vld.idx.msk [tilespmem:v40+s13+$0x0], $0xffff  }
0x241: {  	v50 =	vbroadcast v11, $0x9;
	v2 =	vadd.f32 v3, v2;
	v3 =	vmul.f32 v42, v47  }
0x242: {  	v52 =	vor.u32 $0x2E, v1;
	v51 =	vld.idx.msk [tilespmem:v43+s13+$0x0], $0xffff  }
0x243: {  	v53 =	vbroadcast v11, $0xA;
	v2 =	vadd.f32 v3, v2;
	v3 =	vmul.f32 v45, v50  }
0x244: {  	v55 =	vor.u32 $0x2F, v1;
	v54 =	vld.idx.msk [tilespmem:v46+s13+$0x0], $0xffff  }
0x245: {  	v56 =	vbroadcast v11, $0xB;
	v2 =	vadd.f32 v3, v2;
	v3 =	vmul.f32 v48, v53  }
0x246: {  	v58 =	vor.u32 $0x30, v1;
	v57 =	vld.idx.msk [tilespmem:v49+s13+$0x0], $0xffff  }
0x247: {  	v59 =	vbroadcast v11, $0xC;
	v2 =	vadd.f32 v3, v2;
	v3 =	vmul.f32 v51, v56  }
0x248: {  	v61 =	vor.u32 $0x31, v1;
	v60 =	vld.idx.msk [tilespmem:v52+s13+$0x0], $0xffff  }
0x249: {  	v16 =	vld [tilespmem:s26+$0x10];
	v62 =	vbroadcast v11, $0xD;
	v2 =	vadd.f32 v3, v2;
	v3 =	vmul.f32 v54, v59  }
0x24a: {  	v17 =	vor.u32 $0x32, v1;
	v63 =	vld.idx.msk [tilespmem:v55+s13+$0x0], $0xffff  }
0x24b: {  	v18 =	vbroadcast v11, $0xE;
	v2 =	vadd.f32 v3, v2;
	v3 =	vmul.f32 v57, v62  }
0x24c: {  	v19 =	vld.idx.msk [tilespmem:v58+s13+$0x0], $0xffff;
	v20 =	vor.u32 $0x33, v1  }
0x24d: {  	v21 =	vbroadcast v11, $0xF;
	v2 =	vadd.f32 v3, v2;
	v3 =	vmul.f32 v60, v18  }
0x24e: {  	v22 =	vld.idx.msk [tilespmem:v61+s13+$0x0], $0xffff;
	v23 =	vor.u32 $0x34, v1  }
0x24f: {  	v24 =	vbroadcast v16, $0x0;
	v2 =	vadd.f32 v3, v2;
	v3 =	vmul.f32 v63, v21  }
0x250: {  	v25 =	vld.idx.msk [tilespmem:v17+s13+$0x0], $0xffff;
	v26 =	vor.u32 $0x35, v1  }
0x251: {  	v27 =	vbroadcast v16, $0x1;
	v2 =	vadd.f32 v3, v2;
	v3 =	vmul.f32 v24, v19  }
0x252: {  	v28 =	vld.idx.msk [tilespmem:v20+s13+$0x0], $0xffff;
	v29 =	vor.u32 $0x36, v1  }
0x253: {  	v30 =	vbroadcast v16, $0x2;
	v2 =	vadd.f32 v3, v2;
	v3 =	vmul.f32 v22, v27  }
0x254: {  	v31 =	vld.idx.msk [tilespmem:v23+s13+$0x0], $0xffff;
	v32 =	vor.u32 $0x37, v1  }
0x255: {  	v33 =	vbroadcast v16, $0x3;
	v2 =	vadd.f32 v3, v2;
	v3 =	vmul.f32 v25, v30  }
0x256: {  	v34 =	vld.idx.msk [tilespmem:v26+s13+$0x0], $0xffff;
	v35 =	vor.u32 $0x38, v1  }
0x257: {  	v36 =	vbroadcast v16, $0x4;
	v2 =	vadd.f32 v3, v2;
	v3 =	vmul.f32 v28, v33  }
0x258: {  	v37 =	vld.idx.msk [tilespmem:v29+s13+$0x0], $0xffff;
	v38 =	vor.u32 $0x39, v1  }
0x259: {  	v39 =	vbroadcast v16, $0x5;
	v2 =	vadd.f32 v3, v2;
	v3 =	vmul.f32 v31, v36  }
0x25a: {  	v40 =	vld.idx.msk [tilespmem:v32+s13+$0x0], $0xffff;
	v41 =	vor.u32 $0x3A, v1  }
0x25b: {  	v42 =	vbroadcast v16, $0x6;
	v2 =	vadd.f32 v3, v2;
	v3 =	vmul.f32 v34, v39  }
0x25c: {  	v43 =	vld.idx.msk [tilespmem:v35+s13+$0x0], $0xffff;
	v44 =	vor.u32 $0x3B, v1  }
0x25d: {  	v45 =	vbroadcast v16, $0x7;
	v2 =	vadd.f32 v3, v2;
	v3 =	vmul.f32 v37, v42  }
0x25e: {  	v46 =	vld.idx.msk [tilespmem:v38+s13+$0x0], $0xffff;
	v47 =	vor.u32 $0x3C, v1  }
0x25f: {  	v48 =	vbroadcast v16, $0x8;
	v2 =	vadd.f32 v3, v2;
	v3 =	vmul.f32 v40, v45  }
0x260: {  	v49 =	vld.idx.msk [tilespmem:v41+s13+$0x0], $0xffff;
	v50 =	vor.u32 $0x3D, v1  }
0x261: {  	v51 =	vbroadcast v16, $0x9;
	v2 =	vadd.f32 v3, v2;
	v3 =	vmul.f32 v43, v48  }
0x262: {  	v52 =	vld.idx.msk [tilespmem:v44+s13+$0x0], $0xffff;
	v53 =	vor.u32 $0x3E, v1  }
0x263: {  	v54 =	vbroadcast v16, $0xA;
	v2 =	vadd.f32 v3, v2;
	v3 =	vmul.f32 v46, v51  }
0x264: {  	v1 =	vor.u32 $0x3F, v1;
	v55 =	vld.idx.msk [tilespmem:v47+s13+$0x0], $0xffff  }
0x265: {  	v56 =	vbroadcast v16, $0xB;
	v2 =	vadd.f32 v3, v2;
	v3 =	vmul.f32 v49, v54  }
0x266: {  	v57 =	vld.idx.msk [tilespmem:v50+s13+$0x0], $0xffff  }
0x267: {  	v58 =	vbroadcast v16, $0xC;
	v2 =	vadd.f32 v3, v2;
	v3 =	vmul.f32 v52, v56  }
0x268: {  	v59 =	vld.idx.msk [tilespmem:v53+s13+$0x0], $0xffff  }
0x269: {  	v60 =	vbroadcast v16, $0xD;
	v2 =	vadd.f32 v3, v2;
	v3 =	vmul.f32 v55, v58  }
0x26a: {  	v1 =	vld.idx.msk [tilespmem:v1+s13+$0x0], $0xffff  }
0x26b: {  	v61 =	vbroadcast v16, $0xE;
	v2 =	vadd.f32 v3, v2;
	v3 =	vmul.f32 v57, v60;
	_ =	sdelay $0x1  }
0x26c: {  	s31 =	sadd.s32 $0x10, s28;
	v62 =	vbroadcast v16, $0xF;
	v2 =	vadd.f32 v3, v2;
	v3 =	vmul.f32 v59, v61  }
0x26d: {  	v63 =	vld [tilespmem:s31+$0x0]  }
0x26e: {  	v1 =	vmul.f32 v1, v62;
	v2 =	vadd.f32 v3, v2;
	_ =	sdelay $0x1  }
0x26f: {  	v1 =	vadd.f32 v1, v2;
	_ =	sdelay $0x1  }
0x270: {  	v1 =	vadd.f32 v1, v63;
	_ =	sdelay $0x1  }
0x271: {  	v1 =	vsub.f32 $0.0e+00, v1;
	_ =	sdelay $0x1  }
0x272: {  	v1 =	vmul.f32 $1.442695020e+00, v1;
	_ =	sdelay $0x1  }
0x273: {  	(erf) = vpow2.f32 v1;
	_ =	sdelay $0x8  }
0x274: {  	v1 =	vpop (erf)  }
0x275: {  	v1 =	vadd.f32 $1.000000000e+00, v1;
	_ =	sdelay $0x1  }
0x276: {  	(erf) = vrcp.f32 v1;
	_ =	sdelay $0x7  }
0x277: {  	s23 =	sadd.s32 $0x1, s23  }
0x278: {  	p0 =	sne.s32 s23, $0x31;
	s25 =	sadd.s32 $0x10, s25;
	v1 =	vpop (erf)  }
.Ltmp1:
0x279: {  	s24 =	sadd.s32 s8, s24;
	[tilespmem:s25+$0x0] =	vst v1;
	(pc) =	sbr.rel @p0 .LBB2_2-.Ltmp1, $4  }
0x27a: {  	[hbm4b:s24+s1] =	stream.linear.scatter [tilespmem:s21], [sflag:$0x2], $0x200, $0x38;
	[tilespmem:$0x8E00] =	vst v63  }
0x27b: {  	_ =	swait.ge [sflag:s11], $0x200  }
0x27c: {  	[sflag:s11] =	ssyncset.done $0x0  }
0x27d: {  	[sflag:s11] =	ssyncadd.s32 $0xFFFFFE00  }
0x27e: {  	s22 =	sadd.s32 $0x1, s22  }
0x27f: {  	p0 =	sne.s32 s22, s10  }
.Ltmp2:
0x280: {  	_ = 	snop;
	(pc) =	sbr.rel @p0 .LBB2_1-.Ltmp2, $1  }
0x281: {  	_ =	sdelay $0x3  }
0x282: {  	_ =	sfence.sel $0x180000  }
0x283: {  	[bflag:$0x0] =	sbarrier.arrive $0xFFFF  }
0x284: {  	p0 =	sne.s32 s2, $0x0;
	_ =	strace $0x90000047  }
0x285: {  	s0 =	sadd.s32 @!p0 $0x100000, s0;
	[bflag:$0x2] =	sbarrier.arrive $0xFFFF  }
0x286: {  	[sflag:s0] =	ssyncadd.tile.s32 @!p0 $0x1;
	_ =	shalt  }
.Lfunc_end2:
_tile_overlayer_lowered:
.L_overlay_start_2:
0x287: {  	(tag) =	ssettag $0x2  }
0x288: {  	s0 =	rddreg [dreg:$0x0];
	s2 =	stileid.u32  }
0x289: {  	s1 =	rddreg [dreg:$0x1];
	p0 =	sne.s32 s2, $0x0  }
0x28a: {  	s3 =	rddreg [dreg:$0x2];
	[bflag:$0x3] =	sbarrier.arrive $0xFFFF;
	s2 =	simm.s32 @!p0 $0x1C02  }
0x28b: {  	[timem:s3], [sflag:s2] =	dma.local @!p0 [hbm:s0], s1  }
0x28c: {  	s0 =	simm.s32 @!p0 $0x2  }
0x28d: {  	_ =	swait.ge @!p0 [sflag:s0], s1  }
0x28e: {  	s1 =	ssub.s32 @!p0 $0x0, s1;
	[sflag:s0] =	ssyncset.done @!p0 $0x0  }
0x28f: {  	[sflag:s0] =	ssyncadd.s32 @!p0 s1  }
0x290: {  	[bflag:$0x3] =	sbarrier.arrive $0xFFFF  }
0x291: {  	_ =	shalt  }

</sc_bundles>
